<compile_context>
chip_gen: v7x
topology: tpu7x:2x2x1
jax: 0.10.2.dev20260603
libtpu: 0.0.44.dev20260713+nightly
codegen_flags: <defaults>
</compile_context>

<pallas_src>
import functools

import jax
import jax.numpy as jnp
from jax import lax
from jax.experimental import pallas as pl
from jax.experimental.pallas import tpu as pltpu
from jax.experimental.pallas import tpu_sc as plsc

VOCAB = 1000000
D = 64
H = 256
C = 128
B = 4096
S = 200

NC = 2
NS = 16
NW = NC * NS
B_PER_W = B // NW
RING = 4
LANES = 16
NV = D // LANES


def _sc_embed_sum_body(idx_hbm, table_hbm, out_hbm, idx_v, bufs, out_v, *sems):
    wid = lax.axis_index("s") * NC + lax.axis_index("c")
    base = wid * B_PER_W

    pltpu.sync_copy(idx_hbm.at[:, pl.ds(base, B_PER_W)], idx_v)

    zero = jnp.zeros((LANES,), jnp.float32)

    @plsc.parallel_loop(0, B_PER_W)
    def _(i):
        for v in range(NV):
            out_v[i, pl.ds(v * LANES, LANES)] = zero

    def fire(s, r):
        pltpu.async_copy(table_hbm.at[idx_v.at[s]], bufs.at[r], sems[r])

    for r in range(RING):
        fire(r, r)

    def group_body(g, carry):
        for r in range(RING):
            s = g * RING + r
            pltpu.make_async_copy(
                table_hbm.at[idx_v.at[s]], bufs.at[r], sems[r]
            ).wait()

            @plsc.parallel_loop(0, B_PER_W, unroll=8)
            def _(i):
                for v in range(NV):
                    x = bufs[r, i, pl.ds(v * LANES, LANES)]
                    plsc.addupdate(out_v.at[i, pl.ds(v * LANES, LANES)], x)

            @pl.when(s + RING < S)
            def _():
                fire(s + RING, r)
        return carry

    lax.fori_loop(0, S // RING, group_body, 0)

    pltpu.sync_copy(out_v, out_hbm.at[pl.ds(base, B_PER_W)])


def _sc_embed_sum(idx_t, emb_table):
    mesh = plsc.VectorSubcoreMesh(core_axis_name="c", subcore_axis_name="s")
    scratch = [
        pltpu.VMEM((S, B_PER_W), jnp.int32),
        pltpu.VMEM((RING, B_PER_W, 2 * D), jnp.float32),
        pltpu.VMEM((B_PER_W, D), jnp.float32),
    ] + [pltpu.SemaphoreType.DMA] * RING
    return pl.kernel(
        _sc_embed_sum_body,
        out_type=jax.ShapeDtypeStruct((B, D), jnp.float32),
        mesh=mesh,
        scratch_types=scratch,
        compiler_params=pltpu.CompilerParams(use_tc_tiling_on_sc=True),
    )(idx_t, emb_table)


def _mlp_body(sums_ref, len_ref, w1_ref, b1_ref, w2_ref, b2_ref, out_ref):
    avg = sums_ref[...] / len_ref[...]
    h = jnp.dot(avg, w1_ref[...], preferred_element_type=jnp.float32)
    h = jnp.maximum(h + b1_ref[...], 0.0)
    out = jnp.dot(h, w2_ref[...], preferred_element_type=jnp.float32)
    out_ref[...] = out + b2_ref[...]


def _tc_mlp(sums, text_length, W1, b1, W2, b2):
    BLK = 512
    grid = (B // BLK,)
    return pl.pallas_call(
        _mlp_body,
        grid=grid,
        in_specs=[
            pl.BlockSpec((BLK, D), lambda i: (i, 0)),
            pl.BlockSpec((BLK, 1), lambda i: (i, 0)),
            pl.BlockSpec((D, H), lambda i: (0, 0)),
            pl.BlockSpec((1, H), lambda i: (0, 0)),
            pl.BlockSpec((H, C), lambda i: (0, 0)),
            pl.BlockSpec((1, C), lambda i: (0, 0)),
        ],
        out_specs=pl.BlockSpec((BLK, C), lambda i: (i, 0)),
        out_shape=jax.ShapeDtypeStruct((B, C), jnp.float32),
    )(sums, text_length.reshape(B, 1), W1, b1.reshape(1, H), W2, b2.reshape(1, C))


@jax.jit
def kernel(input_text, text_length, emb_table, W1, b1, W2, b2):
    idx_t = input_text.astype(jnp.int32).T
    table_pad = jnp.pad(emb_table, ((0, 0), (0, D)))
    sums = _sc_embed_sum(idx_t, table_pad)
    return _tc_mlp(sums, text_length, W1, b1, W2, b2)

# --- scband reference (transcript-rebuilt; emitter-appended) ---
"""Pipeline reference for scband-model-30021821399806 (READ-ONLY COPY).

The authoritative reference and input builder live on the scoring server;
editing this copy changes nothing except your own understanding.
"""

import jax, jax.numpy as jnp
import numpy as np

VOCAB = 1000000
EMB_DIM = 64
N_HIDDEN = 256
N_CLASSES = 128
BATCH = 4096
SEQ = 200


def setup_inputs(seed: int = 0) -> dict:
    key = jax.random.key(seed)
    k_idx, k_len, k_emb, k_w1, k_b1, k_w2, k_b2 = jax.random.split(key, 7)
    input_text = jax.random.randint(k_idx, (BATCH, SEQ), 0, VOCAB, dtype=jnp.int64 if jax.config.jax_enable_x64 else jnp.int32)
    # text lengths in [1, SEQ] to avoid divide-by-zero, stored as float32
    text_length = jax.random.randint(k_len, (BATCH,), 1, SEQ + 1).astype(jnp.float32)
    emb_table = jax.random.normal(k_emb, (VOCAB, EMB_DIM), dtype=jnp.float32) * 0.02
    emb_table = emb_table.at[0].set(0.0)  # padding_idx=0
    W1 = jax.random.normal(k_w1, (EMB_DIM, N_HIDDEN), dtype=jnp.float32) * (1.0 / np.sqrt(EMB_DIM))
    b1 = jax.random.normal(k_b1, (N_HIDDEN,), dtype=jnp.float32) * 0.01
    W2 = jax.random.normal(k_w2, (N_HIDDEN, N_CLASSES), dtype=jnp.float32) * (1.0 / np.sqrt(N_HIDDEN))
    b2 = jax.random.normal(k_b2, (N_CLASSES,), dtype=jnp.float32) * 0.01
    return {"input_text": input_text, "text_length": text_length, "emb_table": emb_table,
            "W1": W1, "b1": b1, "W2": W2, "b2": b2}


def reference(input_text, text_length, emb_table, W1, b1, W2, b2):
    # Embedding lookup: [B, L, D]
    embedding = jnp.take(emb_table, input_text, axis=0)
    # Average over sequence by provided lengths: [B, D]
    average_embedding = embedding.sum(axis=1) / text_length.reshape(embedding.shape[0], -1)
    # Classifier: Linear -> ReLU -> (Dropout is identity in eval) -> Linear
    h = jnp.maximum(average_embedding @ W1 + b1, 0.0)
    logits = h @ W2 + b2
    return logits

if __name__ == "__main__":
    import jax
    _d = setup_inputs()
    print(jax.jit(kernel)(*tuple(_d.values())))

</pallas_src>

<mosaic_0001>
#map = affine_map<(d0, d1) -> (0, 0)>
module attributes {stable_mosaic.version = 14 : i64} {
  func.func @_sc_embed_sum_body(%arg0: i32, %arg1: i32, %arg2: memref<200x4096xi32, #tpu.memory_space<hbm>>, %arg3: memref<1000000x128xf32, #tpu.memory_space<hbm>>, %arg4: memref<4096x64xf32, #tpu.memory_space<hbm>>, %arg5: memref<200x128xi32, #tpu.memory_space<vmem>>, %arg6: memref<4x128x128xf32, #tpu.memory_space<vmem>>, %arg7: memref<128x64xf32, #tpu.memory_space<vmem>>, %arg8: memref<!tpu.dma_semaphore, #tpu.memory_space<semaphore_mem>>, %arg9: memref<!tpu.dma_semaphore, #tpu.memory_space<semaphore_mem>>, %arg10: memref<!tpu.dma_semaphore, #tpu.memory_space<semaphore_mem>>, %arg11: memref<!tpu.dma_semaphore, #tpu.memory_space<semaphore_mem>>) attributes {dimension_semantics = [#tpu.dimension_semantics<core_parallel>, #tpu.dimension_semantics<subcore_parallel>], iteration_bounds = array<i64: 2, 16>, scalar_prefetch = 0 : i64, scratch_operands = 7 : i64, tpu.core_type = #tpu.core_type<sc_vector_subcore>, window_params = [{transform_indices = #map}, {transform_indices = #map}, {transform_indices = #map}]} {
    %mul3A = arith.constant 2 : i32
    %mul3A_0 = arith.muli %arg1, %mul3A : i32
    %add3A = arith.addi %mul3A_0, %arg0 : i32
    %mul3A_1 = arith.constant 128 : i32
    %mul3A_2 = arith.muli %add3A, %mul3A_1 : i32
    "tpu.region"() ({
      %run_scoped3A = tpu.sem_alloc : memref<!tpu.dma_semaphore, #tpu.memory_space<semaphore_mem>>
      %dma_start3A_58 = arith.constant 0 : i32
      %dma_start3A_59 = tpu.memref_slice %arg2[%dma_start3A_58, %mul3A_2] : memref<200x4096xi32, #tpu.memory_space<hbm>> -> memref<200x128xi32, #tpu.memory_space<hbm>>
      %dma_start3A_60 = arith.constant 0 : i32
      %dma_start3A_61 = tpu.memref_slice %arg2[%dma_start3A_60, %mul3A_2] : memref<200x4096xi32, #tpu.memory_space<hbm>> -> memref<200x128xi32, #tpu.memory_space<hbm>>
      tpu.enqueue_dma source(%dma_start3A_61 : memref<200x128xi32, #tpu.memory_space<hbm>>) target(%arg5 : memref<200x128xi32, #tpu.memory_space<vmem>>) target_semaphore(%run_scoped3A : memref<!tpu.dma_semaphore, #tpu.memory_space<semaphore_mem>>)
      %dma_wait3A = arith.constant 0 : i32
      %dma_wait3A_62 = tpu.memref_slice %arg2[%dma_wait3A, %mul3A_2] : memref<200x4096xi32, #tpu.memory_space<hbm>> -> memref<200x128xi32, #tpu.memory_space<hbm>>
      %dma_wait3A_63 = arith.constant 0 : i32
      %dma_wait3A_64 = tpu.memref_slice %arg2[%dma_wait3A_63, %mul3A_2] : memref<200x4096xi32, #tpu.memory_space<hbm>> -> memref<200x128xi32, #tpu.memory_space<hbm>>
      tpu.wait_dma2 semaphore(%run_scoped3A : memref<!tpu.dma_semaphore, #tpu.memory_space<semaphore_mem>>) src(%dma_wait3A_64 : memref<200x128xi32, #tpu.memory_space<hbm>>) dst(%arg5 : memref<200x128xi32, #tpu.memory_space<vmem>>)
      tpu.yield
    }) : () -> ()
    %broadcast_in_dim3A = arith.constant 0.000000e+00 : f32
    %broadcast_in_dim3A_3 = vector.broadcast %broadcast_in_dim3A : f32 to vector<16xf32>
    %parallel_loop3A = arith.constant 0 : i32
    %parallel_loop3A_4 = arith.constant 128 : i32
    %parallel_loop3A_5 = arith.constant 1 : i32
    scf.for %parallel_loop3A_58 = %parallel_loop3A to %parallel_loop3A_4 step %parallel_loop3A_5  : i32 {
      %parallel_loop3A_59 = arith.index_cast %parallel_loop3A_58 : i32 to index
      %parallel_loop3A_60 = arith.constant 0 : index
      %parallel_loop3A_61 = tpu.vector_load %arg7[%parallel_loop3A_59, %parallel_loop3A_60] {strides = array<i32>} : memref<128x64xf32, #tpu.memory_space<vmem>>, vector<1x16xf32>,
      %parallel_loop3A_62 = vector.shape_cast %parallel_loop3A_61 : vector<1x16xf32> to vector<16xf32>
      %parallel_loop3A_63 = vector.shape_cast %broadcast_in_dim3A_3 : vector<16xf32> to vector<1x16xf32>
      tpu.vector_store %arg7[%parallel_loop3A_59, %parallel_loop3A_60], %parallel_loop3A_63 {strides = array<i32>} : memref<128x64xf32, #tpu.memory_space<vmem>>, vector<1x16xf32>,
      %parallel_loop3A_64 = arith.index_cast %parallel_loop3A_58 : i32 to index
      %parallel_loop3A_65 = arith.constant 16 : index
      %parallel_loop3A_66 = tpu.vector_load %arg7[%parallel_loop3A_64, %parallel_loop3A_65] {strides = array<i32>} : memref<128x64xf32, #tpu.memory_space<vmem>>, vector<1x16xf32>,
      %parallel_loop3A_67 = vector.shape_cast %parallel_loop3A_66 : vector<1x16xf32> to vector<16xf32>
      %parallel_loop3A_68 = vector.shape_cast %broadcast_in_dim3A_3 : vector<16xf32> to vector<1x16xf32>
      tpu.vector_store %arg7[%parallel_loop3A_64, %parallel_loop3A_65], %parallel_loop3A_68 {strides = array<i32>} : memref<128x64xf32, #tpu.memory_space<vmem>>, vector<1x16xf32>,
      %parallel_loop3A_69 = arith.index_cast %parallel_loop3A_58 : i32 to index
      %parallel_loop3A_70 = arith.constant 32 : index
      %parallel_loop3A_71 = tpu.vector_load %arg7[%parallel_loop3A_69, %parallel_loop3A_70] {strides = array<i32>} : memref<128x64xf32, #tpu.memory_space<vmem>>, vector<1x16xf32>,
      %parallel_loop3A_72 = vector.shape_cast %parallel_loop3A_71 : vector<1x16xf32> to vector<16xf32>
      %parallel_loop3A_73 = vector.shape_cast %broadcast_in_dim3A_3 : vector<16xf32> to vector<1x16xf32>
      tpu.vector_store %arg7[%parallel_loop3A_69, %parallel_loop3A_70], %parallel_loop3A_73 {strides = array<i32>} : memref<128x64xf32, #tpu.memory_space<vmem>>, vector<1x16xf32>,
      %parallel_loop3A_74 = arith.index_cast %parallel_loop3A_58 : i32 to index
      %parallel_loop3A_75 = arith.constant 48 : index
      %parallel_loop3A_76 = tpu.vector_load %arg7[%parallel_loop3A_74, %parallel_loop3A_75] {strides = array<i32>} : memref<128x64xf32, #tpu.memory_space<vmem>>, vector<1x16xf32>,
      %parallel_loop3A_77 = vector.shape_cast %parallel_loop3A_76 : vector<1x16xf32> to vector<16xf32>
      %parallel_loop3A_78 = vector.shape_cast %broadcast_in_dim3A_3 : vector<16xf32> to vector<1x16xf32>
      tpu.vector_store %arg7[%parallel_loop3A_74, %parallel_loop3A_75], %parallel_loop3A_78 {strides = array<i32>} : memref<128x64xf32, #tpu.memory_space<vmem>>, vector<1x16xf32>,
    } {sc.loop_unroll_factor = 1 : i64, sc.parallel_access}
    %dma_start3A = arith.constant 0 : i32
    %dma_start3A_6 = arith.constant 0 : i32
    %dma_start3A_7 = arith.constant 0 : i32
    %dma_start3A_8 = arith.constant 0 : i32
    %dma_start3A_9 = tpu.memref_slice %arg6[%dma_start3A_6, %dma_start3A_7, %dma_start3A_8] : memref<4x128x128xf32, #tpu.memory_space<vmem>> -> memref<1x128x128xf32, #tpu.memory_space<vmem>>
    %dma_start3A_10 = tpu.memref_squeeze %dma_start3A_9 : memref<1x128x128xf32, #tpu.memory_space<vmem>> -> memref<128x128xf32, #tpu.memory_space<vmem>>
    %dma_start3A_11 = arith.constant 0 : i32
    %dma_start3A_12 = tpu.memref_slice %arg5[%dma_start3A, %dma_start3A_11] : memref<200x128xi32, #tpu.memory_space<vmem>> -> memref<1x128xi32, #tpu.memory_space<vmem>>
    %dma_start3A_13 = tpu.memref_squeeze %dma_start3A_12 : memref<1x128xi32, #tpu.memory_space<vmem>> -> memref<128xi32, #tpu.memory_space<vmem>>
    %dma_start3A_14 = arith.constant 0 : i32
    %dma_start3A_15 = arith.constant 0 : i32
    %dma_start3A_16 = tpu.memref_slice %arg3[%dma_start3A_14, %dma_start3A_15] : memref<1000000x128xf32, #tpu.memory_space<hbm>> -> memref<1000000x128xf32, #tpu.memory_space<hbm>>
    tpu.enqueue_indirect_dma source(%dma_start3A_16 : memref<1000000x128xf32, #tpu.memory_space<hbm>>) target(%dma_start3A_10 : memref<128x128xf32, #tpu.memory_space<vmem>>) offsets(%dma_start3A_13 : memref<128xi32, #tpu.memory_space<vmem>>) semaphore(%arg8 : memref<!tpu.dma_semaphore, #tpu.memory_space<semaphore_mem>>)
    %dma_start3A_17 = arith.constant 1 : i32
    %dma_start3A_18 = arith.constant 1 : i32
    %dma_start3A_19 = arith.constant 0 : i32
    %dma_start3A_20 = arith.constant 0 : i32
    %dma_start3A_21 = tpu.memref_slice %arg6[%dma_start3A_18, %dma_start3A_19, %dma_start3A_20] : memref<4x128x128xf32, #tpu.memory_space<vmem>> -> memref<1x128x128xf32, #tpu.memory_space<vmem>>
    %dma_start3A_22 = tpu.memref_squeeze %dma_start3A_21 : memref<1x128x128xf32, #tpu.memory_space<vmem>> -> memref<128x128xf32, #tpu.memory_space<vmem>>
    %dma_start3A_23 = arith.constant 0 : i32
    %dma_start3A_24 = tpu.memref_slice %arg5[%dma_start3A_17, %dma_start3A_23] : memref<200x128xi32, #tpu.memory_space<vmem>> -> memref<1x128xi32, #tpu.memory_space<vmem>>
    %dma_start3A_25 = tpu.memref_squeeze %dma_start3A_24 : memref<1x128xi32, #tpu.memory_space<vmem>> -> memref<128xi32, #tpu.memory_space<vmem>>
    %dma_start3A_26 = arith.constant 0 : i32
    %dma_start3A_27 = arith.constant 0 : i32
    %dma_start3A_28 = tpu.memref_slice %arg3[%dma_start3A_26, %dma_start3A_27] : memref<1000000x128xf32, #tpu.memory_space<hbm>> -> memref<1000000x128xf32, #tpu.memory_space<hbm>>
    tpu.enqueue_indirect_dma source(%dma_start3A_28 : memref<1000000x128xf32, #tpu.memory_space<hbm>>) target(%dma_start3A_22 : memref<128x128xf32, #tpu.memory_space<vmem>>) offsets(%dma_start3A_25 : memref<128xi32, #tpu.memory_space<vmem>>) semaphore(%arg9 : memref<!tpu.dma_semaphore, #tpu.memory_space<semaphore_mem>>)
    %dma_start3A_29 = arith.constant 2 : i32
    %dma_start3A_30 = arith.constant 2 : i32
    %dma_start3A_31 = arith.constant 0 : i32
    %dma_start3A_32 = arith.constant 0 : i32
    %dma_start3A_33 = tpu.memref_slice %arg6[%dma_start3A_30, %dma_start3A_31, %dma_start3A_32] : memref<4x128x128xf32, #tpu.memory_space<vmem>> -> memref<1x128x128xf32, #tpu.memory_space<vmem>>
    %dma_start3A_34 = tpu.memref_squeeze %dma_start3A_33 : memref<1x128x128xf32, #tpu.memory_space<vmem>> -> memref<128x128xf32, #tpu.memory_space<vmem>>
    %dma_start3A_35 = arith.constant 0 : i32
    %dma_start3A_36 = tpu.memref_slice %arg5[%dma_start3A_29, %dma_start3A_35] : memref<200x128xi32, #tpu.memory_space<vmem>> -> memref<1x128xi32, #tpu.memory_space<vmem>>
    %dma_start3A_37 = tpu.memref_squeeze %dma_start3A_36 : memref<1x128xi32, #tpu.memory_space<vmem>> -> memref<128xi32, #tpu.memory_space<vmem>>
    %dma_start3A_38 = arith.constant 0 : i32
    %dma_start3A_39 = arith.constant 0 : i32
    %dma_start3A_40 = tpu.memref_slice %arg3[%dma_start3A_38, %dma_start3A_39] : memref<1000000x128xf32, #tpu.memory_space<hbm>> -> memref<1000000x128xf32, #tpu.memory_space<hbm>>
    tpu.enqueue_indirect_dma source(%dma_start3A_40 : memref<1000000x128xf32, #tpu.memory_space<hbm>>) target(%dma_start3A_34 : memref<128x128xf32, #tpu.memory_space<vmem>>) offsets(%dma_start3A_37 : memref<128xi32, #tpu.memory_space<vmem>>) semaphore(%arg10 : memref<!tpu.dma_semaphore, #tpu.memory_space<semaphore_mem>>)
    %dma_start3A_41 = arith.constant 3 : i32
    %dma_start3A_42 = arith.constant 3 : i32
    %dma_start3A_43 = arith.constant 0 : i32
    %dma_start3A_44 = arith.constant 0 : i32
    %dma_start3A_45 = tpu.memref_slice %arg6[%dma_start3A_42, %dma_start3A_43, %dma_start3A_44] : memref<4x128x128xf32, #tpu.memory_space<vmem>> -> memref<1x128x128xf32, #tpu.memory_space<vmem>>
    %dma_start3A_46 = tpu.memref_squeeze %dma_start3A_45 : memref<1x128x128xf32, #tpu.memory_space<vmem>> -> memref<128x128xf32, #tpu.memory_space<vmem>>
    %dma_start3A_47 = arith.constant 0 : i32
    %dma_start3A_48 = tpu.memref_slice %arg5[%dma_start3A_41, %dma_start3A_47] : memref<200x128xi32, #tpu.memory_space<vmem>> -> memref<1x128xi32, #tpu.memory_space<vmem>>
    %dma_start3A_49 = tpu.memref_squeeze %dma_start3A_48 : memref<1x128xi32, #tpu.memory_space<vmem>> -> memref<128xi32, #tpu.memory_space<vmem>>
    %dma_start3A_50 = arith.constant 0 : i32
    %dma_start3A_51 = arith.constant 0 : i32
    %dma_start3A_52 = tpu.memref_slice %arg3[%dma_start3A_50, %dma_start3A_51] : memref<1000000x128xf32, #tpu.memory_space<hbm>> -> memref<1000000x128xf32, #tpu.memory_space<hbm>>
    tpu.enqueue_indirect_dma source(%dma_start3A_52 : memref<1000000x128xf32, #tpu.memory_space<hbm>>) target(%dma_start3A_46 : memref<128x128xf32, #tpu.memory_space<vmem>>) offsets(%dma_start3A_49 : memref<128xi32, #tpu.memory_space<vmem>>) semaphore(%arg11 : memref<!tpu.dma_semaphore, #tpu.memory_space<semaphore_mem>>)
    %scan3A = arith.constant 0 : i32
    %scan3A_53 = arith.constant 0 : i32
    %scan3A_54 = arith.constant 50 : i32
    %scan3A_55 = arith.addi %scan3A_53, %scan3A_54 : i32
    %scan3A_56 = arith.constant 1 : i32
    scf.for %scan3A_58 = %scan3A_53 to %scan3A_55 step %scan3A_56  : i32 {
      %mul3A_59 = arith.constant 4 : i32
      %mul3A_60 = arith.muli %scan3A_58, %mul3A_59 : i32
      %add3A_61 = arith.constant 0 : i32
      %add3A_62 = arith.addi %mul3A_60, %add3A_61 : i32
      %dma_wait3A = arith.constant 0 : i32
      %dma_wait3A_63 = arith.constant 0 : i32
      %dma_wait3A_64 = arith.constant 0 : i32
      %dma_wait3A_65 = tpu.memref_slice %arg6[%dma_wait3A, %dma_wait3A_63, %dma_wait3A_64] : memref<4x128x128xf32, #tpu.memory_space<vmem>> -> memref<1x128x128xf32, #tpu.memory_space<vmem>>
      %dma_wait3A_66 = tpu.memref_squeeze %dma_wait3A_65 : memref<1x128x128xf32, #tpu.memory_space<vmem>> -> memref<128x128xf32, #tpu.memory_space<vmem>>
      %dma_wait3A_67 = arith.constant 0 : i32
      %dma_wait3A_68 = tpu.memref_slice %arg5[%add3A_62, %dma_wait3A_67] : memref<200x128xi32, #tpu.memory_space<vmem>> -> memref<1x128xi32, #tpu.memory_space<vmem>>
      %dma_wait3A_69 = tpu.memref_squeeze %dma_wait3A_68 : memref<1x128xi32, #tpu.memory_space<vmem>> -> memref<128xi32, #tpu.memory_space<vmem>>
      %dma_wait3A_70 = arith.constant 0 : i32
      %dma_wait3A_71 = arith.constant 0 : i32
      %dma_wait3A_72 = tpu.memref_slice %arg3[%dma_wait3A_70, %dma_wait3A_71] : memref<1000000x128xf32, #tpu.memory_space<hbm>> -> memref<1000000x128xf32, #tpu.memory_space<hbm>>
      tpu.wait_indirect_dma semaphore(%arg8 : memref<!tpu.dma_semaphore, #tpu.memory_space<semaphore_mem>>) src(%dma_wait3A_72 : memref<1000000x128xf32, #tpu.memory_space<hbm>>) dst(%dma_wait3A_66 : memref<128x128xf32, #tpu.memory_space<vmem>>)
      %parallel_loop3A_73 = arith.constant 0 : i32
      %parallel_loop3A_74 = arith.constant 128 : i32
      %parallel_loop3A_75 = arith.constant 1 : i32
      scf.for %parallel_loop3A_155 = %parallel_loop3A_73 to %parallel_loop3A_74 step %parallel_loop3A_75  : i32 {
        %parallel_loop3A_156 = arith.constant 0 : i32
        %parallel_loop3A_157 = arith.index_cast %parallel_loop3A_156 : i32 to index
        %parallel_loop3A_158 = arith.index_cast %parallel_loop3A_155 : i32 to index
        %parallel_loop3A_159 = arith.constant 0 : index
        %parallel_loop3A_160 = tpu.vector_load %arg6[%parallel_loop3A_157, %parallel_loop3A_158, %parallel_loop3A_159] {strides = array<i32>} : memref<4x128x128xf32, #tpu.memory_space<vmem>>, vector<1x1x16xf32>,
        %parallel_loop3A_161 = vector.shape_cast %parallel_loop3A_160 : vector<1x1x16xf32> to vector<16xf32>
        %parallel_loop3A_162 = arith.index_cast %parallel_loop3A_155 : i32 to index
        %parallel_loop3A_163 = arith.constant 0 : index
        %parallel_loop3A_164 = tpu.vector_load %arg7[%parallel_loop3A_162, %parallel_loop3A_163] {strides = array<i32>} : memref<128x64xf32, #tpu.memory_space<vmem>>, vector<1x16xf32>,
        %parallel_loop3A_165 = vector.shape_cast %parallel_loop3A_164 : vector<1x16xf32> to vector<16xf32>
        %parallel_loop3A_166 = vector.shape_cast %parallel_loop3A_161 : vector<16xf32> to vector<1x16xf32>
        tpu.vector_store %arg7[%parallel_loop3A_162, %parallel_loop3A_163], %parallel_loop3A_166 {add = true, strides = array<i32>} : memref<128x64xf32, #tpu.memory_space<vmem>>, vector<1x16xf32>,
        %parallel_loop3A_167 = arith.constant 0 : i32
        %parallel_loop3A_168 = arith.index_cast %parallel_loop3A_167 : i32 to index
        %parallel_loop3A_169 = arith.index_cast %parallel_loop3A_155 : i32 to index
        %parallel_loop3A_170 = arith.constant 16 : index
        %parallel_loop3A_171 = tpu.vector_load %arg6[%parallel_loop3A_168, %parallel_loop3A_169, %parallel_loop3A_170] {strides = array<i32>} : memref<4x128x128xf32, #tpu.memory_space<vmem>>, vector<1x1x16xf32>,
        %parallel_loop3A_172 = vector.shape_cast %parallel_loop3A_171 : vector<1x1x16xf32> to vector<16xf32>
        %parallel_loop3A_173 = arith.index_cast %parallel_loop3A_155 : i32 to index
        %parallel_loop3A_174 = arith.constant 16 : index
        %parallel_loop3A_175 = tpu.vector_load %arg7[%parallel_loop3A_173, %parallel_loop3A_174] {strides = array<i32>} : memref<128x64xf32, #tpu.memory_space<vmem>>, vector<1x16xf32>,
        %parallel_loop3A_176 = vector.shape_cast %parallel_loop3A_175 : vector<1x16xf32> to vector<16xf32>
        %parallel_loop3A_177 = vector.shape_cast %parallel_loop3A_172 : vector<16xf32> to vector<1x16xf32>
        tpu.vector_store %arg7[%parallel_loop3A_173, %parallel_loop3A_174], %parallel_loop3A_177 {add = true, strides = array<i32>} : memref<128x64xf32, #tpu.memory_space<vmem>>, vector<1x16xf32>,
        %parallel_loop3A_178 = arith.constant 0 : i32
        %parallel_loop3A_179 = arith.index_cast %parallel_loop3A_178 : i32 to index
        %parallel_loop3A_180 = arith.index_cast %parallel_loop3A_155 : i32 to index
        %parallel_loop3A_181 = arith.constant 32 : index
        %parallel_loop3A_182 = tpu.vector_load %arg6[%parallel_loop3A_179, %parallel_loop3A_180, %parallel_loop3A_181] {strides = array<i32>} : memref<4x128x128xf32, #tpu.memory_space<vmem>>, vector<1x1x16xf32>,
        %parallel_loop3A_183 = vector.shape_cast %parallel_loop3A_182 : vector<1x1x16xf32> to vector<16xf32>
        %parallel_loop3A_184 = arith.index_cast %parallel_loop3A_155 : i32 to index
        %parallel_loop3A_185 = arith.constant 32 : index
        %parallel_loop3A_186 = tpu.vector_load %arg7[%parallel_loop3A_184, %parallel_loop3A_185] {strides = array<i32>} : memref<128x64xf32, #tpu.memory_space<vmem>>, vector<1x16xf32>,
        %parallel_loop3A_187 = vector.shape_cast %parallel_loop3A_186 : vector<1x16xf32> to vector<16xf32>
        %parallel_loop3A_188 = vector.shape_cast %parallel_loop3A_183 : vector<16xf32> to vector<1x16xf32>
        tpu.vector_store %arg7[%parallel_loop3A_184, %parallel_loop3A_185], %parallel_loop3A_188 {add = true, strides = array<i32>} : memref<128x64xf32, #tpu.memory_space<vmem>>, vector<1x16xf32>,
        %parallel_loop3A_189 = arith.constant 0 : i32
        %parallel_loop3A_190 = arith.index_cast %parallel_loop3A_189 : i32 to index
        %parallel_loop3A_191 = arith.index_cast %parallel_loop3A_155 : i32 to index
        %parallel_loop3A_192 = arith.constant 48 : index
        %parallel_loop3A_193 = tpu.vector_load %arg6[%parallel_loop3A_190, %parallel_loop3A_191, %parallel_loop3A_192] {strides = array<i32>} : memref<4x128x128xf32, #tpu.memory_space<vmem>>, vector<1x1x16xf32>,
        %parallel_loop3A_194 = vector.shape_cast %parallel_loop3A_193 : vector<1x1x16xf32> to vector<16xf32>
        %parallel_loop3A_195 = arith.index_cast %parallel_loop3A_155 : i32 to index
        %parallel_loop3A_196 = arith.constant 48 : index
        %parallel_loop3A_197 = tpu.vector_load %arg7[%parallel_loop3A_195, %parallel_loop3A_196] {strides = array<i32>} : memref<128x64xf32, #tpu.memory_space<vmem>>, vector<1x16xf32>,
        %parallel_loop3A_198 = vector.shape_cast %parallel_loop3A_197 : vector<1x16xf32> to vector<16xf32>
        %parallel_loop3A_199 = vector.shape_cast %parallel_loop3A_194 : vector<16xf32> to vector<1x16xf32>
        tpu.vector_store %arg7[%parallel_loop3A_195, %parallel_loop3A_196], %parallel_loop3A_199 {add = true, strides = array<i32>} : memref<128x64xf32, #tpu.memory_space<vmem>>, vector<1x16xf32>,
      } {sc.loop_unroll_factor = 8 : i64, sc.parallel_access}
      %add3A_76 = arith.constant 4 : i32
      %add3A_77 = arith.addi %add3A_62, %add3A_76 : i32
      %lt3A = arith.constant 200 : i32
      %lt3A_78 = arith.cmpi slt, %add3A_77, %lt3A : i32
      %convert_element_type3A = arith.extui %lt3A_78 : i1 to i32
      %cond3A = arith.constant 0 : i32
      %cond3A_79 = arith.cmpi ne, %convert_element_type3A, %cond3A : i32
      scf.if %cond3A_79 {
        %add3A_155 = arith.constant 4 : i32
        %add3A_156 = arith.addi %add3A_62, %add3A_155 : i32
        %dma_start3A_157 = arith.constant 0 : i32
        %dma_start3A_158 = arith.constant 0 : i32
        %dma_start3A_159 = arith.constant 0 : i32
        %dma_start3A_160 = tpu.memref_slice %arg6[%dma_start3A_157, %dma_start3A_158, %dma_start3A_159] : memref<4x128x128xf32, #tpu.memory_space<vmem>> -> memref<1x128x128xf32, #tpu.memory_space<vmem>>
        %dma_start3A_161 = tpu.memref_squeeze %dma_start3A_160 : memref<1x128x128xf32, #tpu.memory_space<vmem>> -> memref<128x128xf32, #tpu.memory_space<vmem>>
        %dma_start3A_162 = arith.constant 0 : i32
        %dma_start3A_163 = tpu.memref_slice %arg5[%add3A_156, %dma_start3A_162] : memref<200x128xi32, #tpu.memory_space<vmem>> -> memref<1x128xi32, #tpu.memory_space<vmem>>
        %dma_start3A_164 = tpu.memref_squeeze %dma_start3A_163 : memref<1x128xi32, #tpu.memory_space<vmem>> -> memref<128xi32, #tpu.memory_space<vmem>>
        %dma_start3A_165 = arith.constant 0 : i32
        %dma_start3A_166 = arith.constant 0 : i32
        %dma_start3A_167 = tpu.memref_slice %arg3[%dma_start3A_165, %dma_start3A_166] : memref<1000000x128xf32, #tpu.memory_space<hbm>> -> memref<1000000x128xf32, #tpu.memory_space<hbm>>
        tpu.enqueue_indirect_dma source(%dma_start3A_167 : memref<1000000x128xf32, #tpu.memory_space<hbm>>) target(%dma_start3A_161 : memref<128x128xf32, #tpu.memory_space<vmem>>) offsets(%dma_start3A_164 : memref<128xi32, #tpu.memory_space<vmem>>) semaphore(%arg8 : memref<!tpu.dma_semaphore, #tpu.memory_space<semaphore_mem>>)
      } else {
      }
      %mul3A_80 = arith.constant 4 : i32
      %mul3A_81 = arith.muli %scan3A_58, %mul3A_80 : i32
      %add3A_82 = arith.constant 1 : i32
      %add3A_83 = arith.addi %mul3A_81, %add3A_82 : i32
      %dma_wait3A_84 = arith.constant 1 : i32
      %dma_wait3A_85 = arith.constant 0 : i32
      %dma_wait3A_86 = arith.constant 0 : i32
      %dma_wait3A_87 = tpu.memref_slice %arg6[%dma_wait3A_84, %dma_wait3A_85, %dma_wait3A_86] : memref<4x128x128xf32, #tpu.memory_space<vmem>> -> memref<1x128x128xf32, #tpu.memory_space<vmem>>
      %dma_wait3A_88 = tpu.memref_squeeze %dma_wait3A_87 : memref<1x128x128xf32, #tpu.memory_space<vmem>> -> memref<128x128xf32, #tpu.memory_space<vmem>>
      %dma_wait3A_89 = arith.constant 0 : i32
      %dma_wait3A_90 = tpu.memref_slice %arg5[%add3A_83, %dma_wait3A_89] : memref<200x128xi32, #tpu.memory_space<vmem>> -> memref<1x128xi32, #tpu.memory_space<vmem>>
      %dma_wait3A_91 = tpu.memref_squeeze %dma_wait3A_90 : memref<1x128xi32, #tpu.memory_space<vmem>> -> memref<128xi32, #tpu.memory_space<vmem>>
      %dma_wait3A_92 = arith.constant 0 : i32
      %dma_wait3A_93 = arith.constant 0 : i32
      %dma_wait3A_94 = tpu.memref_slice %arg3[%dma_wait3A_92, %dma_wait3A_93] : memref<1000000x128xf32, #tpu.memory_space<hbm>> -> memref<1000000x128xf32, #tpu.memory_space<hbm>>
      tpu.wait_indirect_dma semaphore(%arg9 : memref<!tpu.dma_semaphore, #tpu.memory_space<semaphore_mem>>) src(%dma_wait3A_94 : memref<1000000x128xf32, #tpu.memory_space<hbm>>) dst(%dma_wait3A_88 : memref<128x128xf32, #tpu.memory_space<vmem>>)
      %parallel_loop3A_95 = arith.constant 0 : i32
      %parallel_loop3A_96 = arith.constant 128 : i32
      %parallel_loop3A_97 = arith.constant 1 : i32
      scf.for %parallel_loop3A_155 = %parallel_loop3A_95 to %parallel_loop3A_96 step %parallel_loop3A_97  : i32 {
        %parallel_loop3A_156 = arith.constant 1 : i32
        %parallel_loop3A_157 = arith.index_cast %parallel_loop3A_156 : i32 to index
        %parallel_loop3A_158 = arith.index_cast %parallel_loop3A_155 : i32 to index
        %parallel_loop3A_159 = arith.constant 0 : index
        %parallel_loop3A_160 = tpu.vector_load %arg6[%parallel_loop3A_157, %parallel_loop3A_158, %parallel_loop3A_159] {strides = array<i32>} : memref<4x128x128xf32, #tpu.memory_space<vmem>>, vector<1x1x16xf32>,
        %parallel_loop3A_161 = vector.shape_cast %parallel_loop3A_160 : vector<1x1x16xf32> to vector<16xf32>
        %parallel_loop3A_162 = arith.index_cast %parallel_loop3A_155 : i32 to index
        %parallel_loop3A_163 = arith.constant 0 : index
        %parallel_loop3A_164 = tpu.vector_load %arg7[%parallel_loop3A_162, %parallel_loop3A_163] {strides = array<i32>} : memref<128x64xf32, #tpu.memory_space<vmem>>, vector<1x16xf32>,
        %parallel_loop3A_165 = vector.shape_cast %parallel_loop3A_164 : vector<1x16xf32> to vector<16xf32>
        %parallel_loop3A_166 = vector.shape_cast %parallel_loop3A_161 : vector<16xf32> to vector<1x16xf32>
        tpu.vector_store %arg7[%parallel_loop3A_162, %parallel_loop3A_163], %parallel_loop3A_166 {add = true, strides = array<i32>} : memref<128x64xf32, #tpu.memory_space<vmem>>, vector<1x16xf32>,
        %parallel_loop3A_167 = arith.constant 1 : i32
        %parallel_loop3A_168 = arith.index_cast %parallel_loop3A_167 : i32 to index
        %parallel_loop3A_169 = arith.index_cast %parallel_loop3A_155 : i32 to index
        %parallel_loop3A_170 = arith.constant 16 : index
        %parallel_loop3A_171 = tpu.vector_load %arg6[%parallel_loop3A_168, %parallel_loop3A_169, %parallel_loop3A_170] {strides = array<i32>} : memref<4x128x128xf32, #tpu.memory_space<vmem>>, vector<1x1x16xf32>,
        %parallel_loop3A_172 = vector.shape_cast %parallel_loop3A_171 : vector<1x1x16xf32> to vector<16xf32>
        %parallel_loop3A_173 = arith.index_cast %parallel_loop3A_155 : i32 to index
        %parallel_loop3A_174 = arith.constant 16 : index
        %parallel_loop3A_175 = tpu.vector_load %arg7[%parallel_loop3A_173, %parallel_loop3A_174] {strides = array<i32>} : memref<128x64xf32, #tpu.memory_space<vmem>>, vector<1x16xf32>,
        %parallel_loop3A_176 = vector.shape_cast %parallel_loop3A_175 : vector<1x16xf32> to vector<16xf32>
        %parallel_loop3A_177 = vector.shape_cast %parallel_loop3A_172 : vector<16xf32> to vector<1x16xf32>
        tpu.vector_store %arg7[%parallel_loop3A_173, %parallel_loop3A_174], %parallel_loop3A_177 {add = true, strides = array<i32>} : memref<128x64xf32, #tpu.memory_space<vmem>>, vector<1x16xf32>,
        %parallel_loop3A_178 = arith.constant 1 : i32
        %parallel_loop3A_179 = arith.index_cast %parallel_loop3A_178 : i32 to index
        %parallel_loop3A_180 = arith.index_cast %parallel_loop3A_155 : i32 to index
        %parallel_loop3A_181 = arith.constant 32 : index
        %parallel_loop3A_182 = tpu.vector_load %arg6[%parallel_loop3A_179, %parallel_loop3A_180, %parallel_loop3A_181] {strides = array<i32>} : memref<4x128x128xf32, #tpu.memory_space<vmem>>, vector<1x1x16xf32>,
        %parallel_loop3A_183 = vector.shape_cast %parallel_loop3A_182 : vector<1x1x16xf32> to vector<16xf32>
        %parallel_loop3A_184 = arith.index_cast %parallel_loop3A_155 : i32 to index
        %parallel_loop3A_185 = arith.constant 32 : index
        %parallel_loop3A_186 = tpu.vector_load %arg7[%parallel_loop3A_184, %parallel_loop3A_185] {strides = array<i32>} : memref<128x64xf32, #tpu.memory_space<vmem>>, vector<1x16xf32>,
        %parallel_loop3A_187 = vector.shape_cast %parallel_loop3A_186 : vector<1x16xf32> to vector<16xf32>
        %parallel_loop3A_188 = vector.shape_cast %parallel_loop3A_183 : vector<16xf32> to vector<1x16xf32>
        tpu.vector_store %arg7[%parallel_loop3A_184, %parallel_loop3A_185], %parallel_loop3A_188 {add = true, strides = array<i32>} : memref<128x64xf32, #tpu.memory_space<vmem>>, vector<1x16xf32>,
        %parallel_loop3A_189 = arith.constant 1 : i32
        %parallel_loop3A_190 = arith.index_cast %parallel_loop3A_189 : i32 to index
        %parallel_loop3A_191 = arith.index_cast %parallel_loop3A_155 : i32 to index
        %parallel_loop3A_192 = arith.constant 48 : index
        %parallel_loop3A_193 = tpu.vector_load %arg6[%parallel_loop3A_190, %parallel_loop3A_191, %parallel_loop3A_192] {strides = array<i32>} : memref<4x128x128xf32, #tpu.memory_space<vmem>>, vector<1x1x16xf32>,
        %parallel_loop3A_194 = vector.shape_cast %parallel_loop3A_193 : vector<1x1x16xf32> to vector<16xf32>
        %parallel_loop3A_195 = arith.index_cast %parallel_loop3A_155 : i32 to index
        %parallel_loop3A_196 = arith.constant 48 : index
        %parallel_loop3A_197 = tpu.vector_load %arg7[%parallel_loop3A_195, %parallel_loop3A_196] {strides = array<i32>} : memref<128x64xf32, #tpu.memory_space<vmem>>, vector<1x16xf32>,
        %parallel_loop3A_198 = vector.shape_cast %parallel_loop3A_197 : vector<1x16xf32> to vector<16xf32>
        %parallel_loop3A_199 = vector.shape_cast %parallel_loop3A_194 : vector<16xf32> to vector<1x16xf32>
        tpu.vector_store %arg7[%parallel_loop3A_195, %parallel_loop3A_196], %parallel_loop3A_199 {add = true, strides = array<i32>} : memref<128x64xf32, #tpu.memory_space<vmem>>, vector<1x16xf32>,
      } {sc.loop_unroll_factor = 8 : i64, sc.parallel_access}
      %add3A_98 = arith.constant 4 : i32
      %add3A_99 = arith.addi %add3A_83, %add3A_98 : i32
      %lt3A_100 = arith.constant 200 : i32
      %lt3A_101 = arith.cmpi slt, %add3A_99, %lt3A_100 : i32
      %convert_element_type3A_102 = arith.extui %lt3A_101 : i1 to i32
      %cond3A_103 = arith.constant 0 : i32
      %cond3A_104 = arith.cmpi ne, %convert_element_type3A_102, %cond3A_103 : i32
      scf.if %cond3A_104 {
        %add3A_155 = arith.constant 4 : i32
        %add3A_156 = arith.addi %add3A_83, %add3A_155 : i32
        %dma_start3A_157 = arith.constant 1 : i32
        %dma_start3A_158 = arith.constant 0 : i32
        %dma_start3A_159 = arith.constant 0 : i32
        %dma_start3A_160 = tpu.memref_slice %arg6[%dma_start3A_157, %dma_start3A_158, %dma_start3A_159] : memref<4x128x128xf32, #tpu.memory_space<vmem>> -> memref<1x128x128xf32, #tpu.memory_space<vmem>>
        %dma_start3A_161 = tpu.memref_squeeze %dma_start3A_160 : memref<1x128x128xf32, #tpu.memory_space<vmem>> -> memref<128x128xf32, #tpu.memory_space<vmem>>
        %dma_start3A_162 = arith.constant 0 : i32
        %dma_start3A_163 = tpu.memref_slice %arg5[%add3A_156, %dma_start3A_162] : memref<200x128xi32, #tpu.memory_space<vmem>> -> memref<1x128xi32, #tpu.memory_space<vmem>>
        %dma_start3A_164 = tpu.memref_squeeze %dma_start3A_163 : memref<1x128xi32, #tpu.memory_space<vmem>> -> memref<128xi32, #tpu.memory_space<vmem>>
        %dma_start3A_165 = arith.constant 0 : i32
        %dma_start3A_166 = arith.constant 0 : i32
        %dma_start3A_167 = tpu.memref_slice %arg3[%dma_start3A_165, %dma_start3A_166] : memref<1000000x128xf32, #tpu.memory_space<hbm>> -> memref<1000000x128xf32, #tpu.memory_space<hbm>>
        tpu.enqueue_indirect_dma source(%dma_start3A_167 : memref<1000000x128xf32, #tpu.memory_space<hbm>>) target(%dma_start3A_161 : memref<128x128xf32, #tpu.memory_space<vmem>>) offsets(%dma_start3A_164 : memref<128xi32, #tpu.memory_space<vmem>>) semaphore(%arg9 : memref<!tpu.dma_semaphore, #tpu.memory_space<semaphore_mem>>)
      } else {
      }
      %mul3A_105 = arith.constant 4 : i32
      %mul3A_106 = arith.muli %scan3A_58, %mul3A_105 : i32
      %add3A_107 = arith.constant 2 : i32
      %add3A_108 = arith.addi %mul3A_106, %add3A_107 : i32
      %dma_wait3A_109 = arith.constant 2 : i32
      %dma_wait3A_110 = arith.constant 0 : i32
      %dma_wait3A_111 = arith.constant 0 : i32
      %dma_wait3A_112 = tpu.memref_slice %arg6[%dma_wait3A_109, %dma_wait3A_110, %dma_wait3A_111] : memref<4x128x128xf32, #tpu.memory_space<vmem>> -> memref<1x128x128xf32, #tpu.memory_space<vmem>>
      %dma_wait3A_113 = tpu.memref_squeeze %dma_wait3A_112 : memref<1x128x128xf32, #tpu.memory_space<vmem>> -> memref<128x128xf32, #tpu.memory_space<vmem>>
      %dma_wait3A_114 = arith.constant 0 : i32
      %dma_wait3A_115 = tpu.memref_slice %arg5[%add3A_108, %dma_wait3A_114] : memref<200x128xi32, #tpu.memory_space<vmem>> -> memref<1x128xi32, #tpu.memory_space<vmem>>
      %dma_wait3A_116 = tpu.memref_squeeze %dma_wait3A_115 : memref<1x128xi32, #tpu.memory_space<vmem>> -> memref<128xi32, #tpu.memory_space<vmem>>
      %dma_wait3A_117 = arith.constant 0 : i32
      %dma_wait3A_118 = arith.constant 0 : i32
      %dma_wait3A_119 = tpu.memref_slice %arg3[%dma_wait3A_117, %dma_wait3A_118] : memref<1000000x128xf32, #tpu.memory_space<hbm>> -> memref<1000000x128xf32, #tpu.memory_space<hbm>>
      tpu.wait_indirect_dma semaphore(%arg10 : memref<!tpu.dma_semaphore, #tpu.memory_space<semaphore_mem>>) src(%dma_wait3A_119 : memref<1000000x128xf32, #tpu.memory_space<hbm>>) dst(%dma_wait3A_113 : memref<128x128xf32, #tpu.memory_space<vmem>>)
      %parallel_loop3A_120 = arith.constant 0 : i32
      %parallel_loop3A_121 = arith.constant 128 : i32
      %parallel_loop3A_122 = arith.constant 1 : i32
      scf.for %parallel_loop3A_155 = %parallel_loop3A_120 to %parallel_loop3A_121 step %parallel_loop3A_122  : i32 {
        %parallel_loop3A_156 = arith.constant 2 : i32
        %parallel_loop3A_157 = arith.index_cast %parallel_loop3A_156 : i32 to index
        %parallel_loop3A_158 = arith.index_cast %parallel_loop3A_155 : i32 to index
        %parallel_loop3A_159 = arith.constant 0 : index
        %parallel_loop3A_160 = tpu.vector_load %arg6[%parallel_loop3A_157, %parallel_loop3A_158, %parallel_loop3A_159] {strides = array<i32>} : memref<4x128x128xf32, #tpu.memory_space<vmem>>, vector<1x1x16xf32>,
        %parallel_loop3A_161 = vector.shape_cast %parallel_loop3A_160 : vector<1x1x16xf32> to vector<16xf32>
        %parallel_loop3A_162 = arith.index_cast %parallel_loop3A_155 : i32 to index
        %parallel_loop3A_163 = arith.constant 0 : index
        %parallel_loop3A_164 = tpu.vector_load %arg7[%parallel_loop3A_162, %parallel_loop3A_163] {strides = array<i32>} : memref<128x64xf32, #tpu.memory_space<vmem>>, vector<1x16xf32>,
        %parallel_loop3A_165 = vector.shape_cast %parallel_loop3A_164 : vector<1x16xf32> to vector<16xf32>
        %parallel_loop3A_166 = vector.shape_cast %parallel_loop3A_161 : vector<16xf32> to vector<1x16xf32>
        tpu.vector_store %arg7[%parallel_loop3A_162, %parallel_loop3A_163], %parallel_loop3A_166 {add = true, strides = array<i32>} : memref<128x64xf32, #tpu.memory_space<vmem>>, vector<1x16xf32>,
        %parallel_loop3A_167 = arith.constant 2 : i32
        %parallel_loop3A_168 = arith.index_cast %parallel_loop3A_167 : i32 to index
        %parallel_loop3A_169 = arith.index_cast %parallel_loop3A_155 : i32 to index
        %parallel_loop3A_170 = arith.constant 16 : index
        %parallel_loop3A_171 = tpu.vector_load %arg6[%parallel_loop3A_168, %parallel_loop3A_169, %parallel_loop3A_170] {strides = array<i32>} : memref<4x128x128xf32, #tpu.memory_space<vmem>>, vector<1x1x16xf32>,
        %parallel_loop3A_172 = vector.shape_cast %parallel_loop3A_171 : vector<1x1x16xf32> to vector<16xf32>
        %parallel_loop3A_173 = arith.index_cast %parallel_loop3A_155 : i32 to index
        %parallel_loop3A_174 = arith.constant 16 : index
        %parallel_loop3A_175 = tpu.vector_load %arg7[%parallel_loop3A_173, %parallel_loop3A_174] {strides = array<i32>} : memref<128x64xf32, #tpu.memory_space<vmem>>, vector<1x16xf32>,
        %parallel_loop3A_176 = vector.shape_cast %parallel_loop3A_175 : vector<1x16xf32> to vector<16xf32>
        %parallel_loop3A_177 = vector.shape_cast %parallel_loop3A_172 : vector<16xf32> to vector<1x16xf32>
        tpu.vector_store %arg7[%parallel_loop3A_173, %parallel_loop3A_174], %parallel_loop3A_177 {add = true, strides = array<i32>} : memref<128x64xf32, #tpu.memory_space<vmem>>, vector<1x16xf32>,
        %parallel_loop3A_178 = arith.constant 2 : i32
        %parallel_loop3A_179 = arith.index_cast %parallel_loop3A_178 : i32 to index
        %parallel_loop3A_180 = arith.index_cast %parallel_loop3A_155 : i32 to index
        %parallel_loop3A_181 = arith.constant 32 : index
        %parallel_loop3A_182 = tpu.vector_load %arg6[%parallel_loop3A_179, %parallel_loop3A_180, %parallel_loop3A_181] {strides = array<i32>} : memref<4x128x128xf32, #tpu.memory_space<vmem>>, vector<1x1x16xf32>,
        %parallel_loop3A_183 = vector.shape_cast %parallel_loop3A_182 : vector<1x1x16xf32> to vector<16xf32>
        %parallel_loop3A_184 = arith.index_cast %parallel_loop3A_155 : i32 to index
        %parallel_loop3A_185 = arith.constant 32 : index
        %parallel_loop3A_186 = tpu.vector_load %arg7[%parallel_loop3A_184, %parallel_loop3A_185] {strides = array<i32>} : memref<128x64xf32, #tpu.memory_space<vmem>>, vector<1x16xf32>,
        %parallel_loop3A_187 = vector.shape_cast %parallel_loop3A_186 : vector<1x16xf32> to vector<16xf32>
        %parallel_loop3A_188 = vector.shape_cast %parallel_loop3A_183 : vector<16xf32> to vector<1x16xf32>
        tpu.vector_store %arg7[%parallel_loop3A_184, %parallel_loop3A_185], %parallel_loop3A_188 {add = true, strides = array<i32>} : memref<128x64xf32, #tpu.memory_space<vmem>>, vector<1x16xf32>,
        %parallel_loop3A_189 = arith.constant 2 : i32
        %parallel_loop3A_190 = arith.index_cast %parallel_loop3A_189 : i32 to index
        %parallel_loop3A_191 = arith.index_cast %parallel_loop3A_155 : i32 to index
        %parallel_loop3A_192 = arith.constant 48 : index
        %parallel_loop3A_193 = tpu.vector_load %arg6[%parallel_loop3A_190, %parallel_loop3A_191, %parallel_loop3A_192] {strides = array<i32>} : memref<4x128x128xf32, #tpu.memory_space<vmem>>, vector<1x1x16xf32>,
        %parallel_loop3A_194 = vector.shape_cast %parallel_loop3A_193 : vector<1x1x16xf32> to vector<16xf32>
        %parallel_loop3A_195 = arith.index_cast %parallel_loop3A_155 : i32 to index
        %parallel_loop3A_196 = arith.constant 48 : index
        %parallel_loop3A_197 = tpu.vector_load %arg7[%parallel_loop3A_195, %parallel_loop3A_196] {strides = array<i32>} : memref<128x64xf32, #tpu.memory_space<vmem>>, vector<1x16xf32>,
        %parallel_loop3A_198 = vector.shape_cast %parallel_loop3A_197 : vector<1x16xf32> to vector<16xf32>
        %parallel_loop3A_199 = vector.shape_cast %parallel_loop3A_194 : vector<16xf32> to vector<1x16xf32>
        tpu.vector_store %arg7[%parallel_loop3A_195, %parallel_loop3A_196], %parallel_loop3A_199 {add = true, strides = array<i32>} : memref<128x64xf32, #tpu.memory_space<vmem>>, vector<1x16xf32>,
      } {sc.loop_unroll_factor = 8 : i64, sc.parallel_access}
      %add3A_123 = arith.constant 4 : i32
      %add3A_124 = arith.addi %add3A_108, %add3A_123 : i32
      %lt3A_125 = arith.constant 200 : i32
      %lt3A_126 = arith.cmpi slt, %add3A_124, %lt3A_125 : i32
      %convert_element_type3A_127 = arith.extui %lt3A_126 : i1 to i32
      %cond3A_128 = arith.constant 0 : i32
      %cond3A_129 = arith.cmpi ne, %convert_element_type3A_127, %cond3A_128 : i32
      scf.if %cond3A_129 {
        %add3A_155 = arith.constant 4 : i32
        %add3A_156 = arith.addi %add3A_108, %add3A_155 : i32
        %dma_start3A_157 = arith.constant 2 : i32
        %dma_start3A_158 = arith.constant 0 : i32
        %dma_start3A_159 = arith.constant 0 : i32
        %dma_start3A_160 = tpu.memref_slice %arg6[%dma_start3A_157, %dma_start3A_158, %dma_start3A_159] : memref<4x128x128xf32, #tpu.memory_space<vmem>> -> memref<1x128x128xf32, #tpu.memory_space<vmem>>
        %dma_start3A_161 = tpu.memref_squeeze %dma_start3A_160 : memref<1x128x128xf32, #tpu.memory_space<vmem>> -> memref<128x128xf32, #tpu.memory_space<vmem>>
        %dma_start3A_162 = arith.constant 0 : i32
        %dma_start3A_163 = tpu.memref_slice %arg5[%add3A_156, %dma_start3A_162] : memref<200x128xi32, #tpu.memory_space<vmem>> -> memref<1x128xi32, #tpu.memory_space<vmem>>
        %dma_start3A_164 = tpu.memref_squeeze %dma_start3A_163 : memref<1x128xi32, #tpu.memory_space<vmem>> -> memref<128xi32, #tpu.memory_space<vmem>>
        %dma_start3A_165 = arith.constant 0 : i32
        %dma_start3A_166 = arith.constant 0 : i32
        %dma_start3A_167 = tpu.memref_slice %arg3[%dma_start3A_165, %dma_start3A_166] : memref<1000000x128xf32, #tpu.memory_space<hbm>> -> memref<1000000x128xf32, #tpu.memory_space<hbm>>
        tpu.enqueue_indirect_dma source(%dma_start3A_167 : memref<1000000x128xf32, #tpu.memory_space<hbm>>) target(%dma_start3A_161 : memref<128x128xf32, #tpu.memory_space<vmem>>) offsets(%dma_start3A_164 : memref<128xi32, #tpu.memory_space<vmem>>) semaphore(%arg10 : memref<!tpu.dma_semaphore, #tpu.memory_space<semaphore_mem>>)
      } else {
      }
      %mul3A_130 = arith.constant 4 : i32
      %mul3A_131 = arith.muli %scan3A_58, %mul3A_130 : i32
      %add3A_132 = arith.constant 3 : i32
      %add3A_133 = arith.addi %mul3A_131, %add3A_132 : i32
      %dma_wait3A_134 = arith.constant 3 : i32
      %dma_wait3A_135 = arith.constant 0 : i32
      %dma_wait3A_136 = arith.constant 0 : i32
      %dma_wait3A_137 = tpu.memref_slice %arg6[%dma_wait3A_134, %dma_wait3A_135, %dma_wait3A_136] : memref<4x128x128xf32, #tpu.memory_space<vmem>> -> memref<1x128x128xf32, #tpu.memory_space<vmem>>
      %dma_wait3A_138 = tpu.memref_squeeze %dma_wait3A_137 : memref<1x128x128xf32, #tpu.memory_space<vmem>> -> memref<128x128xf32, #tpu.memory_space<vmem>>
      %dma_wait3A_139 = arith.constant 0 : i32
      %dma_wait3A_140 = tpu.memref_slice %arg5[%add3A_133, %dma_wait3A_139] : memref<200x128xi32, #tpu.memory_space<vmem>> -> memref<1x128xi32, #tpu.memory_space<vmem>>
      %dma_wait3A_141 = tpu.memref_squeeze %dma_wait3A_140 : memref<1x128xi32, #tpu.memory_space<vmem>> -> memref<128xi32, #tpu.memory_space<vmem>>
      %dma_wait3A_142 = arith.constant 0 : i32
      %dma_wait3A_143 = arith.constant 0 : i32
      %dma_wait3A_144 = tpu.memref_slice %arg3[%dma_wait3A_142, %dma_wait3A_143] : memref<1000000x128xf32, #tpu.memory_space<hbm>> -> memref<1000000x128xf32, #tpu.memory_space<hbm>>
      tpu.wait_indirect_dma semaphore(%arg11 : memref<!tpu.dma_semaphore, #tpu.memory_space<semaphore_mem>>) src(%dma_wait3A_144 : memref<1000000x128xf32, #tpu.memory_space<hbm>>) dst(%dma_wait3A_138 : memref<128x128xf32, #tpu.memory_space<vmem>>)
      %parallel_loop3A_145 = arith.constant 0 : i32
      %parallel_loop3A_146 = arith.constant 128 : i32
      %parallel_loop3A_147 = arith.constant 1 : i32
      scf.for %parallel_loop3A_155 = %parallel_loop3A_145 to %parallel_loop3A_146 step %parallel_loop3A_147  : i32 {
        %parallel_loop3A_156 = arith.constant 3 : i32
        %parallel_loop3A_157 = arith.index_cast %parallel_loop3A_156 : i32 to index
        %parallel_loop3A_158 = arith.index_cast %parallel_loop3A_155 : i32 to index
        %parallel_loop3A_159 = arith.constant 0 : index
        %parallel_loop3A_160 = tpu.vector_load %arg6[%parallel_loop3A_157, %parallel_loop3A_158, %parallel_loop3A_159] {strides = array<i32>} : memref<4x128x128xf32, #tpu.memory_space<vmem>>, vector<1x1x16xf32>,
        %parallel_loop3A_161 = vector.shape_cast %parallel_loop3A_160 : vector<1x1x16xf32> to vector<16xf32>
        %parallel_loop3A_162 = arith.index_cast %parallel_loop3A_155 : i32 to index
        %parallel_loop3A_163 = arith.constant 0 : index
        %parallel_loop3A_164 = tpu.vector_load %arg7[%parallel_loop3A_162, %parallel_loop3A_163] {strides = array<i32>} : memref<128x64xf32, #tpu.memory_space<vmem>>, vector<1x16xf32>,
        %parallel_loop3A_165 = vector.shape_cast %parallel_loop3A_164 : vector<1x16xf32> to vector<16xf32>
        %parallel_loop3A_166 = vector.shape_cast %parallel_loop3A_161 : vector<16xf32> to vector<1x16xf32>
        tpu.vector_store %arg7[%parallel_loop3A_162, %parallel_loop3A_163], %parallel_loop3A_166 {add = true, strides = array<i32>} : memref<128x64xf32, #tpu.memory_space<vmem>>, vector<1x16xf32>,
        %parallel_loop3A_167 = arith.constant 3 : i32
        %parallel_loop3A_168 = arith.index_cast %parallel_loop3A_167 : i32 to index
        %parallel_loop3A_169 = arith.index_cast %parallel_loop3A_155 : i32 to index
        %parallel_loop3A_170 = arith.constant 16 : index
        %parallel_loop3A_171 = tpu.vector_load %arg6[%parallel_loop3A_168, %parallel_loop3A_169, %parallel_loop3A_170] {strides = array<i32>} : memref<4x128x128xf32, #tpu.memory_space<vmem>>, vector<1x1x16xf32>,
        %parallel_loop3A_172 = vector.shape_cast %parallel_loop3A_171 : vector<1x1x16xf32> to vector<16xf32>
        %parallel_loop3A_173 = arith.index_cast %parallel_loop3A_155 : i32 to index
        %parallel_loop3A_174 = arith.constant 16 : index
        %parallel_loop3A_175 = tpu.vector_load %arg7[%parallel_loop3A_173, %parallel_loop3A_174] {strides = array<i32>} : memref<128x64xf32, #tpu.memory_space<vmem>>, vector<1x16xf32>,
        %parallel_loop3A_176 = vector.shape_cast %parallel_loop3A_175 : vector<1x16xf32> to vector<16xf32>
        %parallel_loop3A_177 = vector.shape_cast %parallel_loop3A_172 : vector<16xf32> to vector<1x16xf32>
        tpu.vector_store %arg7[%parallel_loop3A_173, %parallel_loop3A_174], %parallel_loop3A_177 {add = true, strides = array<i32>} : memref<128x64xf32, #tpu.memory_space<vmem>>, vector<1x16xf32>,
        %parallel_loop3A_178 = arith.constant 3 : i32
        %parallel_loop3A_179 = arith.index_cast %parallel_loop3A_178 : i32 to index
        %parallel_loop3A_180 = arith.index_cast %parallel_loop3A_155 : i32 to index
        %parallel_loop3A_181 = arith.constant 32 : index
        %parallel_loop3A_182 = tpu.vector_load %arg6[%parallel_loop3A_179, %parallel_loop3A_180, %parallel_loop3A_181] {strides = array<i32>} : memref<4x128x128xf32, #tpu.memory_space<vmem>>, vector<1x1x16xf32>,
        %parallel_loop3A_183 = vector.shape_cast %parallel_loop3A_182 : vector<1x1x16xf32> to vector<16xf32>
        %parallel_loop3A_184 = arith.index_cast %parallel_loop3A_155 : i32 to index
        %parallel_loop3A_185 = arith.constant 32 : index
        %parallel_loop3A_186 = tpu.vector_load %arg7[%parallel_loop3A_184, %parallel_loop3A_185] {strides = array<i32>} : memref<128x64xf32, #tpu.memory_space<vmem>>, vector<1x16xf32>,
        %parallel_loop3A_187 = vector.shape_cast %parallel_loop3A_186 : vector<1x16xf32> to vector<16xf32>
        %parallel_loop3A_188 = vector.shape_cast %parallel_loop3A_183 : vector<16xf32> to vector<1x16xf32>
        tpu.vector_store %arg7[%parallel_loop3A_184, %parallel_loop3A_185], %parallel_loop3A_188 {add = true, strides = array<i32>} : memref<128x64xf32, #tpu.memory_space<vmem>>, vector<1x16xf32>,
        %parallel_loop3A_189 = arith.constant 3 : i32
        %parallel_loop3A_190 = arith.index_cast %parallel_loop3A_189 : i32 to index
        %parallel_loop3A_191 = arith.index_cast %parallel_loop3A_155 : i32 to index
        %parallel_loop3A_192 = arith.constant 48 : index
        %parallel_loop3A_193 = tpu.vector_load %arg6[%parallel_loop3A_190, %parallel_loop3A_191, %parallel_loop3A_192] {strides = array<i32>} : memref<4x128x128xf32, #tpu.memory_space<vmem>>, vector<1x1x16xf32>,
        %parallel_loop3A_194 = vector.shape_cast %parallel_loop3A_193 : vector<1x1x16xf32> to vector<16xf32>
        %parallel_loop3A_195 = arith.index_cast %parallel_loop3A_155 : i32 to index
        %parallel_loop3A_196 = arith.constant 48 : index
        %parallel_loop3A_197 = tpu.vector_load %arg7[%parallel_loop3A_195, %parallel_loop3A_196] {strides = array<i32>} : memref<128x64xf32, #tpu.memory_space<vmem>>, vector<1x16xf32>,
        %parallel_loop3A_198 = vector.shape_cast %parallel_loop3A_197 : vector<1x16xf32> to vector<16xf32>
        %parallel_loop3A_199 = vector.shape_cast %parallel_loop3A_194 : vector<16xf32> to vector<1x16xf32>
        tpu.vector_store %arg7[%parallel_loop3A_195, %parallel_loop3A_196], %parallel_loop3A_199 {add = true, strides = array<i32>} : memref<128x64xf32, #tpu.memory_space<vmem>>, vector<1x16xf32>,
      } {sc.loop_unroll_factor = 8 : i64, sc.parallel_access}
      %add3A_148 = arith.constant 4 : i32
      %add3A_149 = arith.addi %add3A_133, %add3A_148 : i32
      %lt3A_150 = arith.constant 200 : i32
      %lt3A_151 = arith.cmpi slt, %add3A_149, %lt3A_150 : i32
      %convert_element_type3A_152 = arith.extui %lt3A_151 : i1 to i32
      %cond3A_153 = arith.constant 0 : i32
      %cond3A_154 = arith.cmpi ne, %convert_element_type3A_152, %cond3A_153 : i32
      scf.if %cond3A_154 {
        %add3A_155 = arith.constant 4 : i32
        %add3A_156 = arith.addi %add3A_133, %add3A_155 : i32
        %dma_start3A_157 = arith.constant 3 : i32
        %dma_start3A_158 = arith.constant 0 : i32
        %dma_start3A_159 = arith.constant 0 : i32
        %dma_start3A_160 = tpu.memref_slice %arg6[%dma_start3A_157, %dma_start3A_158, %dma_start3A_159] : memref<4x128x128xf32, #tpu.memory_space<vmem>> -> memref<1x128x128xf32, #tpu.memory_space<vmem>>
        %dma_start3A_161 = tpu.memref_squeeze %dma_start3A_160 : memref<1x128x128xf32, #tpu.memory_space<vmem>> -> memref<128x128xf32, #tpu.memory_space<vmem>>
        %dma_start3A_162 = arith.constant 0 : i32
        %dma_start3A_163 = tpu.memref_slice %arg5[%add3A_156, %dma_start3A_162] : memref<200x128xi32, #tpu.memory_space<vmem>> -> memref<1x128xi32, #tpu.memory_space<vmem>>
        %dma_start3A_164 = tpu.memref_squeeze %dma_start3A_163 : memref<1x128xi32, #tpu.memory_space<vmem>> -> memref<128xi32, #tpu.memory_space<vmem>>
        %dma_start3A_165 = arith.constant 0 : i32
        %dma_start3A_166 = arith.constant 0 : i32
        %dma_start3A_167 = tpu.memref_slice %arg3[%dma_start3A_165, %dma_start3A_166] : memref<1000000x128xf32, #tpu.memory_space<hbm>> -> memref<1000000x128xf32, #tpu.memory_space<hbm>>
        tpu.enqueue_indirect_dma source(%dma_start3A_167 : memref<1000000x128xf32, #tpu.memory_space<hbm>>) target(%dma_start3A_161 : memref<128x128xf32, #tpu.memory_space<vmem>>) offsets(%dma_start3A_164 : memref<128xi32, #tpu.memory_space<vmem>>) semaphore(%arg11 : memref<!tpu.dma_semaphore, #tpu.memory_space<semaphore_mem>>)
      } else {
      }
    }
    %scan3A_57 = arith.constant 50 : i32
    "tpu.region"() ({
      %run_scoped3A = tpu.sem_alloc : memref<!tpu.dma_semaphore, #tpu.memory_space<semaphore_mem>>
      %dma_start3A_58 = arith.constant 0 : i32
      %dma_start3A_59 = tpu.memref_slice %arg4[%mul3A_2, %dma_start3A_58] : memref<4096x64xf32, #tpu.memory_space<hbm>> -> memref<128x64xf32, #tpu.memory_space<hbm>>
      %dma_start3A_60 = arith.constant 0 : i32
      %dma_start3A_61 = tpu.memref_slice %arg4[%mul3A_2, %dma_start3A_60] : memref<4096x64xf32, #tpu.memory_space<hbm>> -> memref<128x64xf32, #tpu.memory_space<hbm>>
      tpu.enqueue_dma source(%arg7 : memref<128x64xf32, #tpu.memory_space<vmem>>) target(%dma_start3A_61 : memref<128x64xf32, #tpu.memory_space<hbm>>) target_semaphore(%run_scoped3A : memref<!tpu.dma_semaphore, #tpu.memory_space<semaphore_mem>>)
      %dma_wait3A = arith.constant 0 : i32
      %dma_wait3A_62 = tpu.memref_slice %arg4[%mul3A_2, %dma_wait3A] : memref<4096x64xf32, #tpu.memory_space<hbm>> -> memref<128x64xf32, #tpu.memory_space<hbm>>
      %dma_wait3A_63 = arith.constant 0 : i32
      %dma_wait3A_64 = tpu.memref_slice %arg4[%mul3A_2, %dma_wait3A_63] : memref<4096x64xf32, #tpu.memory_space<hbm>> -> memref<128x64xf32, #tpu.memory_space<hbm>>
      tpu.wait_dma2 semaphore(%run_scoped3A : memref<!tpu.dma_semaphore, #tpu.memory_space<semaphore_mem>>) src(%arg7 : memref<128x64xf32, #tpu.memory_space<vmem>>) dst(%dma_wait3A_64 : memref<128x64xf32, #tpu.memory_space<hbm>>)
      tpu.yield
    }) : () -> ()
    return
  }
}

module attributes {stable_mosaic.version = 14 : i64} {
  func.func @_mlp_body(%arg0: i32, %arg1: memref<512x64xf32, #tpu.memory_space<vmem>>, %arg2: memref<512x1xf32, #tpu.memory_space<vmem>>, %arg3: memref<64x256xf32, #tpu.memory_space<vmem>>, %arg4: memref<1x256xf32, #tpu.memory_space<vmem>>, %arg5: memref<256x128xf32, #tpu.memory_space<vmem>>, %arg6: memref<1x128xf32, #tpu.memory_space<vmem>>, %arg7: memref<512x128xf32, #tpu.memory_space<vmem>>) attributes {dimension_semantics = [#tpu.dimension_semantics<arbitrary>], iteration_bounds = array<i64: 8>, scalar_prefetch = 0 : i64, scratch_operands = 0 : i64, tpu.core_type = #tpu.core_type<tc>, window_params = [{transform_indices = @transform_0, window_bounds = array<i64: 512, 64>}, {transform_indices = @transform_1, window_bounds = array<i64: 512, 1>}, {pipeline_mode = #tpu.pipeline_mode<synchronous>, transform_indices = @transform_2, window_bounds = array<i64: 64, 256>}, {pipeline_mode = #tpu.pipeline_mode<synchronous>, transform_indices = @transform_3, window_bounds = array<i64: 1, 256>}, {pipeline_mode = #tpu.pipeline_mode<synchronous>, transform_indices = @transform_4, window_bounds = array<i64: 256, 128>}, {pipeline_mode = #tpu.pipeline_mode<synchronous>, transform_indices = @transform_5, window_bounds = array<i64: 1, 128>}, {transform_indices = @transform_6, window_bounds = array<i64: 512, 128>}]} {
    %get3A = arith.constant 0 : index
    %get3A_0 = arith.constant 0 : index
    %get3A_1 = vector.load %arg1[%get3A, %get3A_0] : memref<512x64xf32, #tpu.memory_space<vmem>>, vector<512x64xf32>
    %get3A_2 = arith.constant 0 : index
    %get3A_3 = arith.constant 0 : index
    %get3A_4 = vector.load %arg2[%get3A_2, %get3A_3] : memref<512x1xf32, #tpu.memory_space<vmem>>, vector<512x1xf32>
    %div3A = vector.broadcast %get3A_4 : vector<512x1xf32> to vector<512x64xf32>
    %div3A_5 = arith.divf %get3A_1, %div3A : vector<512x64xf32>
    %get3A_6 = arith.constant 0 : index
    %get3A_7 = arith.constant 0 : index
    %get3A_8 = vector.load %arg3[%get3A_6, %get3A_7] : memref<64x256xf32, #tpu.memory_space<vmem>>, vector<64x256xf32>
    %dot_general3A = arith.constant dense<0.000000e+00> : vector<512x256xf32>
    %dot_general3A_9 = tpu.matmul %div3A_5, %get3A_8, %dot_general3A {dimension_numbers = #tpu.dot_dimension_numbers<[1], [0], [0], [1], [0, 0, 1, 1], [], []>, transpose_lhs_hint = false} : vector<512x64xf32>, vector<64x256xf32>, vector<512x256xf32> -> vector<512x256xf32>
    %get3A_10 = arith.constant 0 : index
    %get3A_11 = arith.constant 0 : index
    %get3A_12 = vector.load %arg4[%get3A_10, %get3A_11] : memref<1x256xf32, #tpu.memory_space<vmem>>, vector<1x256xf32>
    %add3A = vector.broadcast %get3A_12 : vector<1x256xf32> to vector<512x256xf32>
    %add3A_13 = arith.addf %dot_general3A_9, %add3A : vector<512x256xf32>
    %max3A = arith.constant 0.000000e+00 : f32
    %max3A_14 = vector.broadcast %max3A : f32 to vector<512x256xf32>
    %max3A_15 = arith.maximumf %add3A_13, %max3A_14 : vector<512x256xf32>
    %get3A_16 = arith.constant 0 : index
    %get3A_17 = arith.constant 0 : index
    %get3A_18 = vector.load %arg5[%get3A_16, %get3A_17] : memref<256x128xf32, #tpu.memory_space<vmem>>, vector<256x128xf32>
    %dot_general3A_19 = arith.constant dense<0.000000e+00> : vector<512x128xf32>
    %dot_general3A_20 = tpu.matmul %max3A_15, %get3A_18, %dot_general3A_19 {dimension_numbers = #tpu.dot_dimension_numbers<[1], [0], [0], [1], [0, 0, 1, 1], [], []>, transpose_lhs_hint = false} : vector<512x256xf32>, vector<256x128xf32>, vector<512x128xf32> -> vector<512x128xf32>
    %get3A_21 = arith.constant 0 : index
    %get3A_22 = arith.constant 0 : index
    %get3A_23 = vector.load %arg6[%get3A_21, %get3A_22] : memref<1x128xf32, #tpu.memory_space<vmem>>, vector<1x128xf32>
    %add3A_24 = vector.broadcast %get3A_23 : vector<1x128xf32> to vector<512x128xf32>
    %add3A_25 = arith.addf %dot_general3A_20, %add3A_24 : vector<512x128xf32>
    %swap3A = arith.constant 0 : index
    %swap3A_26 = arith.constant 0 : index
    %swap3A_27 = vector.load %arg7[%swap3A, %swap3A_26] : memref<512x128xf32, #tpu.memory_space<vmem>>, vector<512x128xf32>
    tpu.vector_store %arg7[%swap3A, %swap3A_26], %add3A_25 {strides = array<i32>} : memref<512x128xf32, #tpu.memory_space<vmem>>, vector<512x128xf32>,
    return
  }
  func.func @transform_0(%arg0: i32) -> (i32, i32) {
    %c0_i32 = arith.constant 0 : i32
    %c0_i32_0 = arith.constant 0 : i32
    return %arg0, %c0_i32 : i32, i32
  }
  func.func @transform_1(%arg0: i32) -> (i32, i32) {
    %c0_i32 = arith.constant 0 : i32
    %c0_i32_0 = arith.constant 0 : i32
    return %arg0, %c0_i32 : i32, i32
  }
  func.func @transform_2(%arg0: i32) -> (i32, i32) {
    %c0_i32 = arith.constant 0 : i32
    %c0_i32_0 = arith.constant 0 : i32
    %c0_i32_1 = arith.constant 0 : i32
    return %c0_i32, %c0_i32_0 : i32, i32
  }
  func.func @transform_3(%arg0: i32) -> (i32, i32) {
    %c0_i32 = arith.constant 0 : i32
    %c0_i32_0 = arith.constant 0 : i32
    %c0_i32_1 = arith.constant 0 : i32
    return %c0_i32, %c0_i32_0 : i32, i32
  }
  func.func @transform_4(%arg0: i32) -> (i32, i32) {
    %c0_i32 = arith.constant 0 : i32
    %c0_i32_0 = arith.constant 0 : i32
    %c0_i32_1 = arith.constant 0 : i32
    return %c0_i32, %c0_i32_0 : i32, i32
  }
  func.func @transform_5(%arg0: i32) -> (i32, i32) {
    %c0_i32 = arith.constant 0 : i32
    %c0_i32_0 = arith.constant 0 : i32
    %c0_i32_1 = arith.constant 0 : i32
    return %c0_i32, %c0_i32_0 : i32, i32
  }
  func.func @transform_6(%arg0: i32) -> (i32, i32) {
    %c0_i32 = arith.constant 0 : i32
    %c0_i32_0 = arith.constant 0 : i32
    return %arg0, %c0_i32 : i32, i32
  }
}

</mosaic_0001>

<sc_bundles>
// kernel: kernel.4.cloned.1.call-start
scs
__scs_entry_jumppad:
0x0: {  	(pc) =	sbr.rel $0x88, $3  }
0x1: {  	(tag) =	ssettag $0x0;
	lr =	simm.s32 $0x1  }
0x2: {  	[smem:$0x3F9A] =	sst lr;
	_ =	strace $0xD0000000  }
0x3: {  	_ = 	snop  }
0x4: {  	_ = 	snop  }
0x5: {  	_ = 	snop  }
0x6: {  	_ = 	snop  }
0x7: {  	_ = 	snop  }
__scs_overlays_trampoline_lowered:
0x8: {  	[smem:$0x3FA9] =	sst s0  }
0x9: {  	[smem:$0x3FAA] =	sst s1  }
0xa: {  	[smem:$0x3FAB] =	sst s2  }
0xb: {  	[smem:$0x3FAC] =	sst s3  }
0xc: {  	[smem:$0x3FAD] =	sst s4  }
0xd: {  	[smem:$0x3FAE] =	sst s5  }
0xe: {  	[smem:$0x3FAF] =	sst s6  }
0xf: {  	[smem:$0x3FB0] =	sst s7  }
0x10: {  	[smem:$0x3FB1] =	sst s8  }
0x11: {  	[smem:$0x3FB2] =	sst s9;
	s0 =	simm.s32 @!p0 $0x0  }
0x12: {  	s1 =	sld [smem:$0x3F98];
	s0 =	simm.s32 @p0 $0x1  }
0x13: {  	[smem:$0x3FB3] =	sst s0;
	s0 =	simm.s32 @!p1 $0x0  }
0x14: {  	s2 =	sld [smem:$0x3F97];
	s0 =	simm.s32 @p1 $0x1  }
0x15: {  	[smem:$0x3FB4] =	sst s0;
	s0 =	simm.s32 @!p2 $0x0  }
0x16: {  	s3 =	sld [smem:$0x3FDB];
	s0 =	simm.s32 @p2 $0x1  }
0x17: {  	s4 =	simm.s32 $0x1BF5;
	[smem:$0x3FB6] =	sst s0  }
0x18: {  	s0 =	sld [smem:$0x3F99];
	_ =	swait.ge [sflag:s4], $0x0  }
0x19: {  	s7 =	sld [smem:$0x3F9A]  }
0x1a: {  	s8 =	sadd.s32 $0xFFFFE003, lr  }
0x1b: {  	s9 =	sadd.s32 $0xFFFFFEF7, lr;
	s5 =	simm.s32 $0xFFFFFFFF;
	p2 =	slt.u32 s8, $0xFFFFF086  }
0x1c: {  	p1 =	slt.u32 s9, $0xF7A;
	s5 =	simm.s32 @!p2 $0x0  }
0x1d: {  	s5 =	simm.s32 @p1 $0x1;
	p0 =	seq.s32 s7, s2  }
0x1e: {  	s7 =	smul.u32 @!p0 $0xF7A, s2;
	p2 =	seq.s32 @!p0 s5, $0x0  }
0x1f: {  	s9 =	smul.u32 $0xF7A, s1;
	s8 =	simm.s32 @!p0 $0x1BF5;
	p2 =	por !p2, p0  }
0x20: {  	[sflag:s8] =	ssyncset.s32 @!p0 $0xFFFFF086;
	s6 =	sadd.s32 @!p0 s3, s7;
	s7 =	simm.s32 @!p0 $0x108  }
0x21: {  	s3 =	sadd.s32 s3, s9;
	s6 =	sadd.s32 @!p0 $0x88, s6;
	s7 =	simm.s32 @p2 $0x1082  }
0x22: {  	[simem:s7], [sflag:s8] =	dma.local @!p0 [hbm:s6], $0xF7A  }
0x23: {  	s9 =	sor.u32 $0xD0000000, s2;
	s6 =	simm.s32 $0x108;
	_ =	swait.ge @!p0 [sflag:s8], $0x0  }
0x24: {  	s3 =	sadd.s32 $0x88, s3;
	s6 =	simm.s32 @!p1 $0x1082;
	[sflag:s4] =	ssyncset.s32 $0xFFFFF086  }
0x25: {  	[simem:s6], [sflag:s4] =	dma.local [hbm:s3], $0xF7A  }
0x26: {  	[smem:$0x3F9A] =	sst s1;
	(tag) =	ssettag s2;
	_ =	strace s9  }
0x27: {  	s1 =	sld [smem:$0x3FAA]  }
0x28: {  	s2 =	sld [smem:$0x3FAB]  }
0x29: {  	s4 =	sld [smem:$0x3FAD]  }
0x2a: {  	p0 =	seq.s32 s5, $0x0;
	s5 =	sld [smem:$0x3FAE]  }
0x2b: {  	s6 =	sld [smem:$0x3FAF]  }
0x2c: {  	s7 =	sld [smem:$0x3FB0]  }
0x2d: {  	s3 =	simm.s32 $0x108;
	s8 =	sld [smem:$0x3FB1]  }
0x2e: {  	s3 =	simm.s32 @!p0 $0x1082;
	s9 =	sld [smem:$0x3FB2]  }
0x2f: {  	lr =	sadd.s32 s0, s3;
	s0 =	sld [smem:$0x3FA9]  }
0x30: {  	s3 =	sld [smem:$0x3FAC]  }
0x31: {  	[smem:$0x3FB5] =	sst s10  }
0x32: {  	s10 =	sld [smem:$0x3FB3];
	_ =	sdelay $0x3  }
0x33: {  	p0 =	seq.s32 s10, $0x1;
	s10 =	sld [smem:$0x3FB5];
	_ =	sdelay $0x3  }
0x34: {  	[smem:$0x3FB5] =	sst s10  }
0x35: {  	s10 =	sld [smem:$0x3FB4];
	_ =	sdelay $0x3  }
0x36: {  	p1 =	seq.s32 s10, $0x1;
	s10 =	sld [smem:$0x3FB5];
	_ =	sdelay $0x3  }
0x37: {  	[smem:$0x3FB5] =	sst s10  }
0x38: {  	s10 =	sld [smem:$0x3FB6]  }
0x39: {  	_ = 	snop;
	(pc) =	sbr.ind lr, $3  }
0x3a: {  	_ = 	snop  }
0x3b: {  	_ = 	snop  }
0x3c: {  	p2 =	seq.s32 s10, $0x1;
	s10 =	sld [smem:$0x3FB5]  }
0x3d: {  	_ =	shalt  }
0x3e: {  	_ =	shalt  }
0x3f: {  	_ =	shalt  }
0x40: {  	_ =	shalt  }
0x41: {  	_ =	shalt  }
0x42: {  	_ =	shalt  }
0x43: {  	_ =	shalt  }
0x44: {  	_ =	shalt  }
0x45: {  	_ =	shalt  }
0x46: {  	_ =	shalt  }
0x47: {  	_ =	shalt  }
0x48: {  	_ =	shalt  }
0x49: {  	_ =	shalt  }
0x4a: {  	_ =	shalt  }
0x4b: {  	_ =	shalt  }
0x4c: {  	_ =	shalt  }
0x4d: {  	_ =	shalt  }
0x4e: {  	_ =	shalt  }
0x4f: {  	_ =	shalt  }
0x50: {  	_ =	shalt  }
0x51: {  	_ =	shalt  }
0x52: {  	_ =	shalt  }
0x53: {  	_ =	shalt  }
0x54: {  	_ =	shalt  }
0x55: {  	_ =	shalt  }
0x56: {  	_ =	shalt  }
0x57: {  	_ =	shalt  }
0x58: {  	_ =	shalt  }
0x59: {  	_ =	shalt  }
0x5a: {  	_ =	shalt  }
0x5b: {  	_ =	shalt  }
0x5c: {  	_ =	shalt  }
0x5d: {  	_ =	shalt  }
0x5e: {  	_ =	shalt  }
0x5f: {  	_ =	shalt  }
0x60: {  	_ =	shalt  }
0x61: {  	_ =	shalt  }
0x62: {  	_ =	shalt  }
0x63: {  	_ =	shalt  }
0x64: {  	_ =	shalt  }
0x65: {  	_ =	shalt  }
0x66: {  	_ =	shalt  }
0x67: {  	_ =	shalt  }
0x68: {  	_ =	shalt  }
0x69: {  	_ =	shalt  }
0x6a: {  	_ =	shalt  }
0x6b: {  	_ =	shalt  }
0x6c: {  	_ =	shalt  }
0x6d: {  	_ =	shalt  }
0x6e: {  	_ =	shalt  }
0x6f: {  	_ =	shalt  }
0x70: {  	_ =	shalt  }
0x71: {  	_ =	shalt  }
0x72: {  	_ =	shalt  }
0x73: {  	_ =	shalt  }
0x74: {  	_ =	shalt  }
0x75: {  	_ =	shalt  }
0x76: {  	_ =	shalt  }
0x77: {  	_ =	shalt  }
0x78: {  	_ =	shalt  }
0x79: {  	_ =	shalt  }
0x7a: {  	_ =	shalt  }
0x7b: {  	_ =	shalt  }
0x7c: {  	_ =	shalt  }
0x7d: {  	_ =	shalt  }
0x7e: {  	_ =	shalt  }
0x7f: {  	_ =	shalt  }
0x80: {  	_ =	shalt  }
0x81: {  	_ =	shalt  }
0x82: {  	_ =	shalt  }
0x83: {  	_ =	shalt  }
0x84: {  	_ =	shalt  }
0x85: {  	_ =	shalt  }
0x86: {  	_ =	shalt  }
0x87: {  	_ =	shalt  }
.Lfunc_end0:
.L_simem_size_0:
called_computation_lowered:
.L_overlay_start_0:
0x88: {  	s2 =	sld [smem:$0x3FD9]  }
0x89: {  	s3 =	sld [smem:$0x3FFE];
	_ =	sdelay $0x1  }
0x8a: {  	s1 =	srdreg.scid  }
0x8b: {  	s0 =	sand.u32 $0x1, s1  }
0x8c: {  	s17 =	sshll.u32 s0, $0xA;
	s2 =	sadd.s32 s3, s2  }
0x8d: {  	s2 =	sadd.s32 s2, s17  }
0x8e: {  	[smem:$0x3FC1] =	sst s2  }
0x8f: {  	_ = 	snop  }
0x90: {  	s2 =	sld [smem:$0x3FC9]  }
0x91: {  	s18 =	sld [smem:$0x3FD0];
	(tm) =	ssettm $0x1  }
0x92: {  	s4 =	sld [smem:$0x3FFB];
	_ =	sdelay $0x3  }
0x93: {  	_ =	strace s4  }
0x94: {  	s4 =	sld [smem:$0x3FFC];
	_ =	sdelay $0x3  }
0x95: {  	_ =	strace s4  }
0x96: {  	s4 =	sld [smem:$0x3FFD];
	_ =	sdelay $0x3  }
0x97: {  	_ =	strace s4  }
0x98: {  	_ =	strace $0x8FFFFFFF  }
0x99: {  	s19 =	sld [smem:$0x3FDB];
	_ =	sdelay $0x1  }
0x9a: {  	s5 =	simm.s32 $_scs_section_size  }
0x9b: {  	s6 =	simm.s32 $_size__tile_overlayer_lowered;
	s7 =	simm.s32 $_tile_overlayer_lowered  }
0x9c: {  	s22 =	simm.s32 $0x1BFF;
	s21 =	sshll.u32 s7, $0x1;
	s4 =	sadd.s32 s5, s19  }
0x9d: {  	s8 =	simm.s32 $0x0;
	s20 =	sshll.u32 s6, $0x1;
	s6 =	sadd.s32 s21, s4  }
0x9e: {  	[timem:s8], [sflag:s22] =	dma.local [hbm:s6], s20  }
0x9f: {  	_ =	swait.ge [sflag:s22], s20  }
0xa0: {  	s5 =	ssub.s32 $0x0, s20;
	[sflag:s22] =	ssyncset.done $0x0  }
0xa1: {  	[sflag:s22] =	ssyncadd.s32 s5;
	_ =	sdelay $0x1  }
0xa2: {  	s23 =	simm.s32 $0x1B8B  }
0xa3: {  	_ =	swait.ge [sflag:s23], $0x1  }
0xa4: {  	[sflag:s23] =	ssyncset.done $0x0  }
0xa5: {  	s25 =	simm.s32 $0x1B8E;
	s24 =	sld [smem:$0x3FFE];
	[sflag:s23] =	ssyncadd.s32 $0xFFFFFFFF  }
0xa6: {  	s26 =	simm.s32 $execute0_lowered;
	[smem:$0x3FD2] =	sst s25  }
0xa7: {  	s6 =	sshll.u32 s26, $0x1;
	_ =	strace $0x80000046;
	[dreg:$0x1] =	wrdreg $0xFFFFFFFF  }
0xa8: {  	s28 =	simm.s32 $_size_execute0_lowered;
	s4 =	sadd.s32 s4, s6;
	[dreg:$0x0] =	wrdreg $0x0  }
0xa9: {  	s6 =	sshll.u32 s28, $0x1;
	[dreg:$0x2] =	wrdreg s4  }
0xaa: {  	[dreg:$0x3] =	wrdreg s6  }
0xab: {  	[dreg:$0x4] =	wrdreg $0xC0  }
0xac: {  	_ =	task [dreg:s8], $0x5FFFF  }
0xad: {  	[dreg:$0x1] =	wrdreg $0xFFFFFFFF  }
0xae: {  	[dreg:$0x0] =	wrdreg $0x60  }
0xaf: {  	[dreg:$0x2] =	wrdreg s2  }
0xb0: {  	[dreg:$0x3] =	wrdreg s24  }
0xb1: {  	[dreg:$0x4] =	wrdreg s18  }
0xb2: {  	[dreg:$0x5] =	wrdreg $0x9  }
0xb3: {  	_ =	task.clear_ibuf [dreg:s8], $0x6FFFF;
	_ =	strace $0x90000046  }
0xb4: {  	s29 =	simm.s32 $0x9;
	_ =	strace $0x80000048  }
0xb5: {  	_ =	swait.ge [sflag:s29], $0x1  }
0xb6: {  	[sflag:s29] =	ssyncadd.s32 $0xFFFFFFFF  }
0xb7: {  	_ =	strace $0x90000048  }
0xb8: {  	_ =	sfence  }
0xb9: {  	s30 =	sld [smem:$0x0];
	_ =	sdelay $0x2  }
0xba: {  	s31 =	sshll.u32 s1, $0xD;
	s1 =	sshrl.u32 s1, $0x2  }
0xbb: {  	s3 =	sand.u32 $0x4000, s31;
	s1 =	sadd.s32 s1, s30  }
0xbc: {  	s0 =	sor.u32 s3, s0;
	s1 =	sshll.u32 s1, $0x11  }
0xbd: {  	s0 =	sor.u32 s1, s0  }
0xbe: {  	s0 =	sadd.s32 $0x8F2B, s0  }
0xbf: {  	[sflag:s0] =	ssyncadd.remote.s32 $0x1  }
0xc0: {  	_ =	sfence.sel $0xFFFF  }
0xc1: {  	[dreg:$0x0] =	wrdreg $0xFFFFFFFF;
	(pc) =	sbr.abs _section_cstart, $3  }
0xc2: {  	[dreg:$0x1] =	wrdreg $0xFFFFFFFF  }
0xc3: {  	_ =	task.clear_ibuf [dreg:s8], $0x2FFFF;
	_ =	strace $0x9FFFFFFF  }
0xc4: {  	(tm) =	ssettm $0x7FFFFFFF  }
0xc5: {  	_ =	shalt  }
tec
execute0_lowered:
.L_overlay_start_1:
0x0: {  	(tag) =	ssettag $0x1  }
0x1: {  	s4 =	rddreg [dreg:$0x0]  }
0x2: {  	s3 =	rddreg [dreg:$0x1]  }
0x3: {  	s5 =	rddreg [dreg:$0x2]  }
0x4: {  	s0 =	rddreg [dreg:$0x3];
	s2 =	simm.s32 $0x0  }
0x5: {  	s6 =	srdreg.scid;
	s1 =	stileid.u32;
	s10 =	simm.s32 $0x80  }
0x6: {  	s11 =	simm.s32 $0x6400;
	s12 =	simm.s32 $0xA400;
	s13 =	simm.s32 $0x100  }
0x7: {  	s14 =	simm.s32 $0xE400;
	s15 =	simm.s32 $0x180;
	s16 =	simm.s32 $0x12400  }
0x8: {  	s17 =	simm.s32 $0x1;
	s18 =	simm.s32 $0x2;
	s19 =	simm.s32 $0x3  }
0x9: {  	s20 =	simm.s32 $0x4;
	s21 =	simm.s32 $0x16400;
	s22 =	simm.s32 $0x0  }
0xa: {  	[smem:$0x7FF] =	sst s2;
	s6 =	sand.u32 $0x1, s6;
	s8 =	sshll.u32 s1, $0x8  }
.Ltmp0:
0xb: {  	s3 =	sadd.s32 $0xF43400, s3;
	s7 =	ssub.s32 $0x2, s6;
	(pc) =	sbr.rel .LBB2_1-.Ltmp0, $4  }
0xc: {  	_ =	strace $0x80000047;
	s6 =	sshll.u32 s6, $0x7;
	s9 =	sshrl.u32 s7, $0x1  }
0xd: {  	s6 =	sor.u32 s6, s8;
	s8 =	simm.s32 $0x8000;
	s7 =	ssub.s32 s7, s9  }
0xe: {  	s4 =	sadd.s32 s4, s6;
	s6 =	sshll.u32 s6, $0x4;
	s9 =	simm.s32 $0x5  }
0xf: {  	v0 =	vimm.f32 $0.0e+00;
	s5 =	sadd.s32 s5, s6;
	s6 =	smax.u32 s7, $0x1;
	s7 =	simm.s32 $0x400  }
.LBB2_14:
0x10: {  	s22 =	sadd.s32 $0x1, s22  }
0x11: {  	p0 =	sne.s32 s22, s6  }
.Ltmp1:
0x12: {  	_ = 	snop;
	(pc) =	sbr.rel @!p0 .LBB2_15-.Ltmp1, $4  }
0x13: {  	[hbm4b:s5+s2] =	stream.linear.scatter [tilespmem:s21], [sflag:$0x5], $0x4000, $0x38;
	[tilespmem:$0x1A400] =	vst v63  }
0x14: {  	_ =	swait.ge [sflag:s9], $0x4000  }
0x15: {  	[sflag:s9] =	ssyncset.done $0x0  }
0x16: {  	[sflag:s9] =	ssyncadd.s32 $0xFFFFC000  }
.LBB2_1:
0x17: {  	[tilespmem:s2], [sflag:$0x5] =	stream.strided.gather [hbm4b:s4+s7], $0x6400, s8, s7, $0x38;
	[tilespmem:$0x1A400] =	vst v63  }
0x18: {  	_ =	swait.ge [sflag:s9], $0x6400  }
0x19: {  	[sflag:s9] =	ssyncset.done $0x0  }
0x1a: {  	s24 =	simm.s32 $0x200;
	s23 =	simm.s32 $0x0;
	[sflag:s9] =	ssyncadd.s32 $0xFFFF9C00  }
.LBB2_2:
0x1b: {  	p0 =	sne.s32 s24, $0xFE00;
	[tilespmem:s23+$0x16430] =	vst v0;
	s25 =	smov.u32 s24;
	s24 =	sadd.s32 $0x200, s24  }
.Ltmp2:
0x1c: {  	[tilespmem:s23+$0x16420] =	vst v0;
	(pc) =	sbr.rel @p0 .LBB2_2-.Ltmp2, $3  }
0x1d: {  	[tilespmem:s23+$0x16400] =	vst v0  }
0x1e: {  	[tilespmem:s23+$0x16410] =	vst v0;
	_ =	sdelay $0x1  }
0x1f: {  	s23 =	sshra.s32 s25, $0x2  }
0x20: {  	[tilespmem:s23+$0x16430] =	vst v0  }
0x21: {  	[tilespmem:s23+$0x16420] =	vst v0  }
0x22: {  	[tilespmem:s23+$0x16400] =	vst v0  }
0x23: {  	[tilespmem:s23+$0x16410] =	vst v0;
	s23 =	simm.s32 $0x0  }
0x24: {  	[tilespmem:s11], [sflag:$0x1] =	stream.indirect.gather [hbm4b:s3+s10], $0x80, s23, s10, $0xb8;
	[tilespmem:$0x1A400] =	vst v63  }
0x25: {  	_ = 	snop  }
0x26: {  	[tilespmem:s12], [sflag:$0x2] =	stream.indirect.gather [hbm4b:s3+s10], $0x80, s10, s10, $0xb8;
	[tilespmem:$0x1A400] =	vst v63  }
0x27: {  	_ = 	snop  }
0x28: {  	[tilespmem:s14], [sflag:$0x3] =	stream.indirect.gather [hbm4b:s3+s10], $0x80, s13, s10, $0xb8;
	[tilespmem:$0x1A400] =	vst v63  }
0x29: {  	_ = 	snop  }
0x2a: {  	[tilespmem:s16], [sflag:$0x4] =	stream.indirect.gather [hbm4b:s3+s10], $0x80, s15, s10, $0xb8;
	[tilespmem:$0x1A400] =	vst v63  }
.LBB2_4:
0x2b: {  	_ =	swait.ge [sflag:s17], $0x4000  }
0x2c: {  	[sflag:s17] =	ssyncset.done $0x0  }
0x2d: {  	s26 =	simm.s32 $0x0;
	[sflag:s17] =	ssyncadd.s32 $0xFFFFC000  }
0x2e: {  	v1 =	vld [tilespmem:s26+$0x67B0]  }
0x2f: {  	v2 =	vld [tilespmem:s26+$0x6400]  }
0x30: {  	v3 =	vld [tilespmem:s26+$0x6410]  }
0x31: {  	v4 =	vld [tilespmem:s26+$0x6420]  }
0x32: {  	v5 =	vld [tilespmem:s26+$0x6430]  }
0x33: {  	v6 =	vld [tilespmem:s26+$0x6480]  }
0x34: {  	v7 =	vld [tilespmem:s26+$0x6490]  }
0x35: {  	v8 =	vld [tilespmem:s26+$0x64A0]  }
0x36: {  	v9 =	vld [tilespmem:s26+$0x64B0]  }
0x37: {  	v10 =	vld [tilespmem:s26+$0x6500]  }
0x38: {  	v11 =	vld [tilespmem:s26+$0x6510]  }
0x39: {  	v12 =	vld [tilespmem:s26+$0x6520]  }
0x3a: {  	v13 =	vld [tilespmem:s26+$0x6530]  }
0x3b: {  	v14 =	vld [tilespmem:s26+$0x6580]  }
0x3c: {  	v15 =	vld [tilespmem:s26+$0x6590]  }
0x3d: {  	v16 =	vld [tilespmem:s26+$0x65A0]  }
0x3e: {  	v17 =	vld [tilespmem:s26+$0x65B0]  }
0x3f: {  	v18 =	vld [tilespmem:s26+$0x6600]  }
0x40: {  	v19 =	vld [tilespmem:s26+$0x6610]  }
0x41: {  	v20 =	vld [tilespmem:s26+$0x6620]  }
0x42: {  	v21 =	vld [tilespmem:s26+$0x6630]  }
0x43: {  	v22 =	vld [tilespmem:s26+$0x6680]  }
0x44: {  	v23 =	vld [tilespmem:s26+$0x6690]  }
0x45: {  	v24 =	vld [tilespmem:s26+$0x66A0]  }
0x46: {  	v25 =	vld [tilespmem:s26+$0x66B0]  }
0x47: {  	v26 =	vld [tilespmem:s26+$0x6700]  }
0x48: {  	v27 =	vld [tilespmem:s26+$0x6710]  }
0x49: {  	v28 =	vld [tilespmem:s26+$0x6720]  }
0x4a: {  	v29 =	vld [tilespmem:s26+$0x6730]  }
0x4b: {  	v30 =	vld [tilespmem:s26+$0x6780]  }
0x4c: {  	v31 =	vld [tilespmem:s26+$0x6790]  }
0x4d: {  	[tilespmem:s26+$0x167B0] =	vst.add.f32.msk $0xffff, v1  }
0x4e: {  	v1 =	vld [tilespmem:s26+$0x67A0]  }
0x4f: {  	[tilespmem:s26+$0x16400] =	vst.add.f32.msk $0xffff, v2  }
0x50: {  	[tilespmem:s26+$0x16410] =	vst.add.f32.msk $0xffff, v3  }
0x51: {  	[tilespmem:s26+$0x16420] =	vst.add.f32.msk $0xffff, v4  }
0x52: {  	[tilespmem:s26+$0x16430] =	vst.add.f32.msk $0xffff, v5  }
0x53: {  	[tilespmem:s26+$0x16480] =	vst.add.f32.msk $0xffff, v6  }
0x54: {  	[tilespmem:s26+$0x16490] =	vst.add.f32.msk $0xffff, v7  }
0x55: {  	[tilespmem:s26+$0x164A0] =	vst.add.f32.msk $0xffff, v8  }
0x56: {  	[tilespmem:s26+$0x164B0] =	vst.add.f32.msk $0xffff, v9  }
0x57: {  	[tilespmem:s26+$0x16500] =	vst.add.f32.msk $0xffff, v10  }
0x58: {  	[tilespmem:s26+$0x16510] =	vst.add.f32.msk $0xffff, v11  }
0x59: {  	[tilespmem:s26+$0x16520] =	vst.add.f32.msk $0xffff, v12  }
0x5a: {  	[tilespmem:s26+$0x16530] =	vst.add.f32.msk $0xffff, v13  }
0x5b: {  	[tilespmem:s26+$0x16580] =	vst.add.f32.msk $0xffff, v14  }
0x5c: {  	[tilespmem:s26+$0x16590] =	vst.add.f32.msk $0xffff, v15  }
0x5d: {  	[tilespmem:s26+$0x165A0] =	vst.add.f32.msk $0xffff, v16  }
0x5e: {  	[tilespmem:s26+$0x165B0] =	vst.add.f32.msk $0xffff, v17  }
0x5f: {  	[tilespmem:s26+$0x16600] =	vst.add.f32.msk $0xffff, v18  }
0x60: {  	[tilespmem:s26+$0x16610] =	vst.add.f32.msk $0xffff, v19  }
0x61: {  	[tilespmem:s26+$0x16620] =	vst.add.f32.msk $0xffff, v20  }
0x62: {  	[tilespmem:s26+$0x16630] =	vst.add.f32.msk $0xffff, v21  }
0x63: {  	[tilespmem:s26+$0x16680] =	vst.add.f32.msk $0xffff, v22  }
0x64: {  	[tilespmem:s26+$0x16690] =	vst.add.f32.msk $0xffff, v23  }
0x65: {  	[tilespmem:s26+$0x166A0] =	vst.add.f32.msk $0xffff, v24  }
0x66: {  	[tilespmem:s26+$0x166B0] =	vst.add.f32.msk $0xffff, v25  }
0x67: {  	[tilespmem:s26+$0x16700] =	vst.add.f32.msk $0xffff, v26  }
0x68: {  	[tilespmem:s26+$0x16710] =	vst.add.f32.msk $0xffff, v27  }
0x69: {  	[tilespmem:s26+$0x16720] =	vst.add.f32.msk $0xffff, v28  }
0x6a: {  	[tilespmem:s26+$0x16730] =	vst.add.f32.msk $0xffff, v29  }
0x6b: {  	[tilespmem:s26+$0x16780] =	vst.add.f32.msk $0xffff, v30  }
0x6c: {  	s24 =	simm.s32 $0x0;
	s25 =	simm.s32 $0x1000;
	[tilespmem:s26+$0x16790] =	vst.add.f32.msk $0xffff, v31  }
.LBB2_5:
0x6d: {  	s24 =	sadd.s32 $0x8, s24;
	[tilespmem:s26+$0x167A0] =	vst.add.f32.msk $0xffff, v1;
	s26 =	sshra.s32 s25, $0x2  }
0x6e: {  	v1 =	vld [tilespmem:s26+$0x67B0];
	p0 =	slt.u32 s24, $0x78  }
0x6f: {  	v2 =	vld [tilespmem:s26+$0x6400]  }
0x70: {  	v3 =	vld [tilespmem:s26+$0x6410]  }
0x71: {  	v4 =	vld [tilespmem:s26+$0x6420]  }
0x72: {  	v5 =	vld [tilespmem:s26+$0x6430]  }
0x73: {  	[tilespmem:s26+$0x167B0] =	vst.add.f32.msk $0xffff, v1  }
0x74: {  	v6 =	vld [tilespmem:s26+$0x6480]  }
0x75: {  	v7 =	vld [tilespmem:s26+$0x6490]  }
0x76: {  	v8 =	vld [tilespmem:s26+$0x64A0]  }
0x77: {  	v9 =	vld [tilespmem:s26+$0x64B0]  }
0x78: {  	v10 =	vld [tilespmem:s26+$0x6500]  }
0x79: {  	v11 =	vld [tilespmem:s26+$0x6510]  }
0x7a: {  	v12 =	vld [tilespmem:s26+$0x6520]  }
0x7b: {  	v13 =	vld [tilespmem:s26+$0x6530]  }
0x7c: {  	v14 =	vld [tilespmem:s26+$0x6580]  }
0x7d: {  	v15 =	vld [tilespmem:s26+$0x6590]  }
0x7e: {  	v16 =	vld [tilespmem:s26+$0x65A0]  }
0x7f: {  	v17 =	vld [tilespmem:s26+$0x65B0]  }
0x80: {  	v18 =	vld [tilespmem:s26+$0x6600]  }
0x81: {  	v19 =	vld [tilespmem:s26+$0x6610]  }
0x82: {  	v20 =	vld [tilespmem:s26+$0x6620]  }
0x83: {  	v21 =	vld [tilespmem:s26+$0x6630]  }
0x84: {  	v22 =	vld [tilespmem:s26+$0x6680]  }
0x85: {  	v23 =	vld [tilespmem:s26+$0x6690]  }
0x86: {  	v24 =	vld [tilespmem:s26+$0x66A0]  }
0x87: {  	v25 =	vld [tilespmem:s26+$0x66B0]  }
0x88: {  	v26 =	vld [tilespmem:s26+$0x6700]  }
0x89: {  	v27 =	vld [tilespmem:s26+$0x6710]  }
0x8a: {  	v28 =	vld [tilespmem:s26+$0x6720]  }
0x8b: {  	v29 =	vld [tilespmem:s26+$0x6730]  }
0x8c: {  	v30 =	vld [tilespmem:s26+$0x6780]  }
0x8d: {  	v31 =	vld [tilespmem:s26+$0x6790]  }
0x8e: {  	v1 =	vld [tilespmem:s26+$0x67A0]  }
0x8f: {  	[tilespmem:s26+$0x16400] =	vst.add.f32.msk $0xffff, v2  }
0x90: {  	[tilespmem:s26+$0x16410] =	vst.add.f32.msk $0xffff, v3  }
0x91: {  	[tilespmem:s26+$0x16420] =	vst.add.f32.msk $0xffff, v4  }
0x92: {  	[tilespmem:s26+$0x16430] =	vst.add.f32.msk $0xffff, v5  }
0x93: {  	[tilespmem:s26+$0x16480] =	vst.add.f32.msk $0xffff, v6  }
0x94: {  	[tilespmem:s26+$0x16490] =	vst.add.f32.msk $0xffff, v7  }
0x95: {  	[tilespmem:s26+$0x164A0] =	vst.add.f32.msk $0xffff, v8  }
0x96: {  	[tilespmem:s26+$0x164B0] =	vst.add.f32.msk $0xffff, v9  }
0x97: {  	[tilespmem:s26+$0x16500] =	vst.add.f32.msk $0xffff, v10  }
0x98: {  	[tilespmem:s26+$0x16510] =	vst.add.f32.msk $0xffff, v11  }
0x99: {  	[tilespmem:s26+$0x16520] =	vst.add.f32.msk $0xffff, v12  }
0x9a: {  	[tilespmem:s26+$0x16530] =	vst.add.f32.msk $0xffff, v13  }
0x9b: {  	[tilespmem:s26+$0x16580] =	vst.add.f32.msk $0xffff, v14  }
0x9c: {  	[tilespmem:s26+$0x16590] =	vst.add.f32.msk $0xffff, v15  }
0x9d: {  	[tilespmem:s26+$0x165A0] =	vst.add.f32.msk $0xffff, v16  }
0x9e: {  	[tilespmem:s26+$0x165B0] =	vst.add.f32.msk $0xffff, v17  }
0x9f: {  	[tilespmem:s26+$0x16600] =	vst.add.f32.msk $0xffff, v18  }
0xa0: {  	[tilespmem:s26+$0x16610] =	vst.add.f32.msk $0xffff, v19  }
0xa1: {  	[tilespmem:s26+$0x16620] =	vst.add.f32.msk $0xffff, v20  }
0xa2: {  	[tilespmem:s26+$0x16630] =	vst.add.f32.msk $0xffff, v21  }
0xa3: {  	[tilespmem:s26+$0x16680] =	vst.add.f32.msk $0xffff, v22  }
0xa4: {  	[tilespmem:s26+$0x16690] =	vst.add.f32.msk $0xffff, v23  }
0xa5: {  	[tilespmem:s26+$0x166A0] =	vst.add.f32.msk $0xffff, v24  }
0xa6: {  	[tilespmem:s26+$0x166B0] =	vst.add.f32.msk $0xffff, v25  }
0xa7: {  	[tilespmem:s26+$0x16700] =	vst.add.f32.msk $0xffff, v26  }
.Ltmp3:
0xa8: {  	[tilespmem:s26+$0x16710] =	vst.add.f32.msk $0xffff, v27;
	(pc) =	sbr.rel @p0 .LBB2_5-.Ltmp3, $4  }
0xa9: {  	[tilespmem:s26+$0x16720] =	vst.add.f32.msk $0xffff, v28  }
0xaa: {  	[tilespmem:s26+$0x16730] =	vst.add.f32.msk $0xffff, v29  }
0xab: {  	[tilespmem:s26+$0x16780] =	vst.add.f32.msk $0xffff, v30  }
0xac: {  	s25 =	sadd.s32 $0x1000, s25;
	[tilespmem:s26+$0x16790] =	vst.add.f32.msk $0xffff, v31  }
0xad: {  	s24 =	sshll.u32 s23, $0xB;
	p0 =	seq.s32 s23, $0x31  }
0xae: {  	s25 =	sshrl.u32 @!p0 s24, $0x2  }
0xaf: {  	[tilespmem:s26+$0x167A0] =	vst.add.f32.msk $0xffff, v1;
	s28 =	simm.s32 @!p0 $0x80;
	s29 =	simm.s32 @!p0 $0x6400;
	s26 =	sadd.s32 @!p0 $0x200, s25  }
0xb0: {  	[tilespmem:s29], [sflag:$0x1] =	stream.indirect.gather @!p0 [hbm4b:s3+s28], $0x80, s26, s28, $0xb8;
	[tilespmem:$0x1A400] =	vst v63  }
0xb1: {  	_ =	swait.ge [sflag:s18], $0x4000  }
0xb2: {  	[sflag:s18] =	ssyncset.done $0x0  }
0xb3: {  	s26 =	simm.s32 $0x0;
	[sflag:s18] =	ssyncadd.s32 $0xFFFFC000  }
0xb4: {  	v1 =	vld [tilespmem:s26+$0xA7B0]  }
0xb5: {  	v2 =	vld [tilespmem:s26+$0xA400]  }
0xb6: {  	v3 =	vld [tilespmem:s26+$0xA410]  }
0xb7: {  	v4 =	vld [tilespmem:s26+$0xA420]  }
0xb8: {  	v5 =	vld [tilespmem:s26+$0xA430]  }
0xb9: {  	v6 =	vld [tilespmem:s26+$0xA480]  }
0xba: {  	v7 =	vld [tilespmem:s26+$0xA490]  }
0xbb: {  	v8 =	vld [tilespmem:s26+$0xA4A0]  }
0xbc: {  	v9 =	vld [tilespmem:s26+$0xA4B0]  }
0xbd: {  	v10 =	vld [tilespmem:s26+$0xA500]  }
0xbe: {  	v11 =	vld [tilespmem:s26+$0xA510]  }
0xbf: {  	v12 =	vld [tilespmem:s26+$0xA520]  }
0xc0: {  	v13 =	vld [tilespmem:s26+$0xA530]  }
0xc1: {  	v14 =	vld [tilespmem:s26+$0xA580]  }
0xc2: {  	v15 =	vld [tilespmem:s26+$0xA590]  }
0xc3: {  	v16 =	vld [tilespmem:s26+$0xA5A0]  }
0xc4: {  	v17 =	vld [tilespmem:s26+$0xA5B0]  }
0xc5: {  	v18 =	vld [tilespmem:s26+$0xA600]  }
0xc6: {  	v19 =	vld [tilespmem:s26+$0xA610]  }
0xc7: {  	v20 =	vld [tilespmem:s26+$0xA620]  }
0xc8: {  	v21 =	vld [tilespmem:s26+$0xA630]  }
0xc9: {  	v22 =	vld [tilespmem:s26+$0xA680]  }
0xca: {  	v23 =	vld [tilespmem:s26+$0xA690]  }
0xcb: {  	v24 =	vld [tilespmem:s26+$0xA6A0]  }
0xcc: {  	v25 =	vld [tilespmem:s26+$0xA6B0]  }
0xcd: {  	v26 =	vld [tilespmem:s26+$0xA700]  }
0xce: {  	v27 =	vld [tilespmem:s26+$0xA710]  }
0xcf: {  	v28 =	vld [tilespmem:s26+$0xA720]  }
0xd0: {  	v29 =	vld [tilespmem:s26+$0xA730]  }
0xd1: {  	v30 =	vld [tilespmem:s26+$0xA780]  }
0xd2: {  	v31 =	vld [tilespmem:s26+$0xA790]  }
0xd3: {  	[tilespmem:s26+$0x167B0] =	vst.add.f32.msk $0xffff, v1  }
0xd4: {  	v1 =	vld [tilespmem:s26+$0xA7A0]  }
0xd5: {  	[tilespmem:s26+$0x16400] =	vst.add.f32.msk $0xffff, v2  }
0xd6: {  	[tilespmem:s26+$0x16410] =	vst.add.f32.msk $0xffff, v3  }
0xd7: {  	[tilespmem:s26+$0x16420] =	vst.add.f32.msk $0xffff, v4  }
0xd8: {  	[tilespmem:s26+$0x16430] =	vst.add.f32.msk $0xffff, v5  }
0xd9: {  	[tilespmem:s26+$0x16480] =	vst.add.f32.msk $0xffff, v6  }
0xda: {  	[tilespmem:s26+$0x16490] =	vst.add.f32.msk $0xffff, v7  }
0xdb: {  	[tilespmem:s26+$0x164A0] =	vst.add.f32.msk $0xffff, v8  }
0xdc: {  	[tilespmem:s26+$0x164B0] =	vst.add.f32.msk $0xffff, v9  }
0xdd: {  	[tilespmem:s26+$0x16500] =	vst.add.f32.msk $0xffff, v10  }
0xde: {  	[tilespmem:s26+$0x16510] =	vst.add.f32.msk $0xffff, v11  }
0xdf: {  	[tilespmem:s26+$0x16520] =	vst.add.f32.msk $0xffff, v12  }
0xe0: {  	[tilespmem:s26+$0x16530] =	vst.add.f32.msk $0xffff, v13  }
0xe1: {  	[tilespmem:s26+$0x16580] =	vst.add.f32.msk $0xffff, v14  }
0xe2: {  	[tilespmem:s26+$0x16590] =	vst.add.f32.msk $0xffff, v15  }
0xe3: {  	[tilespmem:s26+$0x165A0] =	vst.add.f32.msk $0xffff, v16  }
0xe4: {  	[tilespmem:s26+$0x165B0] =	vst.add.f32.msk $0xffff, v17  }
0xe5: {  	[tilespmem:s26+$0x16600] =	vst.add.f32.msk $0xffff, v18  }
0xe6: {  	[tilespmem:s26+$0x16610] =	vst.add.f32.msk $0xffff, v19  }
0xe7: {  	[tilespmem:s26+$0x16620] =	vst.add.f32.msk $0xffff, v20  }
0xe8: {  	[tilespmem:s26+$0x16630] =	vst.add.f32.msk $0xffff, v21  }
0xe9: {  	[tilespmem:s26+$0x16680] =	vst.add.f32.msk $0xffff, v22  }
0xea: {  	[tilespmem:s26+$0x16690] =	vst.add.f32.msk $0xffff, v23  }
0xeb: {  	[tilespmem:s26+$0x166A0] =	vst.add.f32.msk $0xffff, v24  }
0xec: {  	[tilespmem:s26+$0x166B0] =	vst.add.f32.msk $0xffff, v25  }
0xed: {  	[tilespmem:s26+$0x16700] =	vst.add.f32.msk $0xffff, v26  }
0xee: {  	[tilespmem:s26+$0x16710] =	vst.add.f32.msk $0xffff, v27  }
0xef: {  	[tilespmem:s26+$0x16720] =	vst.add.f32.msk $0xffff, v28  }
0xf0: {  	[tilespmem:s26+$0x16730] =	vst.add.f32.msk $0xffff, v29  }
0xf1: {  	[tilespmem:s26+$0x16780] =	vst.add.f32.msk $0xffff, v30  }
0xf2: {  	s28 =	simm.s32 $0x0;
	s29 =	simm.s32 $0x1000;
	[tilespmem:s26+$0x16790] =	vst.add.f32.msk $0xffff, v31  }
.LBB2_7:
0xf3: {  	s28 =	sadd.s32 $0x8, s28;
	[tilespmem:s26+$0x167A0] =	vst.add.f32.msk $0xffff, v1;
	s26 =	sshra.s32 s29, $0x2  }
0xf4: {  	v1 =	vld [tilespmem:s26+$0xA7B0];
	p1 =	slt.u32 s28, $0x78  }
0xf5: {  	v2 =	vld [tilespmem:s26+$0xA400]  }
0xf6: {  	v3 =	vld [tilespmem:s26+$0xA410]  }
0xf7: {  	v4 =	vld [tilespmem:s26+$0xA420]  }
0xf8: {  	v5 =	vld [tilespmem:s26+$0xA430]  }
0xf9: {  	[tilespmem:s26+$0x167B0] =	vst.add.f32.msk $0xffff, v1  }
0xfa: {  	v6 =	vld [tilespmem:s26+$0xA480]  }
0xfb: {  	v7 =	vld [tilespmem:s26+$0xA490]  }
0xfc: {  	v8 =	vld [tilespmem:s26+$0xA4A0]  }
0xfd: {  	v9 =	vld [tilespmem:s26+$0xA4B0]  }
0xfe: {  	v10 =	vld [tilespmem:s26+$0xA500]  }
0xff: {  	v11 =	vld [tilespmem:s26+$0xA510]  }
0x100: {  	v12 =	vld [tilespmem:s26+$0xA520]  }
0x101: {  	v13 =	vld [tilespmem:s26+$0xA530]  }
0x102: {  	v14 =	vld [tilespmem:s26+$0xA580]  }
0x103: {  	v15 =	vld [tilespmem:s26+$0xA590]  }
0x104: {  	v16 =	vld [tilespmem:s26+$0xA5A0]  }
0x105: {  	v17 =	vld [tilespmem:s26+$0xA5B0]  }
0x106: {  	v18 =	vld [tilespmem:s26+$0xA600]  }
0x107: {  	v19 =	vld [tilespmem:s26+$0xA610]  }
0x108: {  	v20 =	vld [tilespmem:s26+$0xA620]  }
0x109: {  	v21 =	vld [tilespmem:s26+$0xA630]  }
0x10a: {  	v22 =	vld [tilespmem:s26+$0xA680]  }
0x10b: {  	v23 =	vld [tilespmem:s26+$0xA690]  }
0x10c: {  	v24 =	vld [tilespmem:s26+$0xA6A0]  }
0x10d: {  	v25 =	vld [tilespmem:s26+$0xA6B0]  }
0x10e: {  	v26 =	vld [tilespmem:s26+$0xA700]  }
0x10f: {  	v27 =	vld [tilespmem:s26+$0xA710]  }
0x110: {  	v28 =	vld [tilespmem:s26+$0xA720]  }
0x111: {  	v29 =	vld [tilespmem:s26+$0xA730]  }
0x112: {  	v30 =	vld [tilespmem:s26+$0xA780]  }
0x113: {  	v31 =	vld [tilespmem:s26+$0xA790]  }
0x114: {  	v1 =	vld [tilespmem:s26+$0xA7A0]  }
0x115: {  	[tilespmem:s26+$0x16400] =	vst.add.f32.msk $0xffff, v2  }
0x116: {  	[tilespmem:s26+$0x16410] =	vst.add.f32.msk $0xffff, v3  }
0x117: {  	[tilespmem:s26+$0x16420] =	vst.add.f32.msk $0xffff, v4  }
0x118: {  	[tilespmem:s26+$0x16430] =	vst.add.f32.msk $0xffff, v5  }
0x119: {  	[tilespmem:s26+$0x16480] =	vst.add.f32.msk $0xffff, v6  }
0x11a: {  	[tilespmem:s26+$0x16490] =	vst.add.f32.msk $0xffff, v7  }
0x11b: {  	[tilespmem:s26+$0x164A0] =	vst.add.f32.msk $0xffff, v8  }
0x11c: {  	[tilespmem:s26+$0x164B0] =	vst.add.f32.msk $0xffff, v9  }
0x11d: {  	[tilespmem:s26+$0x16500] =	vst.add.f32.msk $0xffff, v10  }
0x11e: {  	[tilespmem:s26+$0x16510] =	vst.add.f32.msk $0xffff, v11  }
0x11f: {  	[tilespmem:s26+$0x16520] =	vst.add.f32.msk $0xffff, v12  }
0x120: {  	[tilespmem:s26+$0x16530] =	vst.add.f32.msk $0xffff, v13  }
0x121: {  	[tilespmem:s26+$0x16580] =	vst.add.f32.msk $0xffff, v14  }
0x122: {  	[tilespmem:s26+$0x16590] =	vst.add.f32.msk $0xffff, v15  }
0x123: {  	[tilespmem:s26+$0x165A0] =	vst.add.f32.msk $0xffff, v16  }
0x124: {  	[tilespmem:s26+$0x165B0] =	vst.add.f32.msk $0xffff, v17  }
0x125: {  	[tilespmem:s26+$0x16600] =	vst.add.f32.msk $0xffff, v18  }
0x126: {  	[tilespmem:s26+$0x16610] =	vst.add.f32.msk $0xffff, v19  }
0x127: {  	[tilespmem:s26+$0x16620] =	vst.add.f32.msk $0xffff, v20  }
0x128: {  	[tilespmem:s26+$0x16630] =	vst.add.f32.msk $0xffff, v21  }
0x129: {  	[tilespmem:s26+$0x16680] =	vst.add.f32.msk $0xffff, v22  }
0x12a: {  	[tilespmem:s26+$0x16690] =	vst.add.f32.msk $0xffff, v23  }
0x12b: {  	[tilespmem:s26+$0x166A0] =	vst.add.f32.msk $0xffff, v24  }
0x12c: {  	[tilespmem:s26+$0x166B0] =	vst.add.f32.msk $0xffff, v25  }
0x12d: {  	[tilespmem:s26+$0x16700] =	vst.add.f32.msk $0xffff, v26  }
.Ltmp4:
0x12e: {  	[tilespmem:s26+$0x16710] =	vst.add.f32.msk $0xffff, v27;
	(pc) =	sbr.rel @p1 .LBB2_7-.Ltmp4, $4  }
0x12f: {  	[tilespmem:s26+$0x16720] =	vst.add.f32.msk $0xffff, v28  }
0x130: {  	[tilespmem:s26+$0x16730] =	vst.add.f32.msk $0xffff, v29  }
0x131: {  	[tilespmem:s26+$0x16780] =	vst.add.f32.msk $0xffff, v30  }
0x132: {  	s29 =	sadd.s32 $0x1000, s29;
	[tilespmem:s26+$0x16790] =	vst.add.f32.msk $0xffff, v31  }
0x133: {  	[tilespmem:s26+$0x167A0] =	vst.add.f32.msk $0xffff, v1;
	s26 =	sadd.s32 @!p0 $0x280, s25;
	s28 =	simm.s32 @!p0 $0x80;
	s29 =	simm.s32 @!p0 $0xA400  }
0x134: {  	[tilespmem:s29], [sflag:$0x2] =	stream.indirect.gather @!p0 [hbm4b:s3+s28], $0x80, s26, s28, $0xb8;
	[tilespmem:$0x1A400] =	vst v63  }
0x135: {  	_ =	swait.ge [sflag:s19], $0x4000  }
0x136: {  	[sflag:s19] =	ssyncset.done $0x0  }
0x137: {  	s26 =	simm.s32 $0x0;
	[sflag:s19] =	ssyncadd.s32 $0xFFFFC000  }
0x138: {  	v1 =	vld [tilespmem:s26+$0xE7B0]  }
0x139: {  	v2 =	vld [tilespmem:s26+$0xE400]  }
0x13a: {  	v3 =	vld [tilespmem:s26+$0xE410]  }
0x13b: {  	v4 =	vld [tilespmem:s26+$0xE420]  }
0x13c: {  	v5 =	vld [tilespmem:s26+$0xE430]  }
0x13d: {  	v6 =	vld [tilespmem:s26+$0xE480]  }
0x13e: {  	v7 =	vld [tilespmem:s26+$0xE490]  }
0x13f: {  	v8 =	vld [tilespmem:s26+$0xE4A0]  }
0x140: {  	v9 =	vld [tilespmem:s26+$0xE4B0]  }
0x141: {  	v10 =	vld [tilespmem:s26+$0xE500]  }
0x142: {  	v11 =	vld [tilespmem:s26+$0xE510]  }
0x143: {  	v12 =	vld [tilespmem:s26+$0xE520]  }
0x144: {  	v13 =	vld [tilespmem:s26+$0xE530]  }
0x145: {  	v14 =	vld [tilespmem:s26+$0xE580]  }
0x146: {  	v15 =	vld [tilespmem:s26+$0xE590]  }
0x147: {  	v16 =	vld [tilespmem:s26+$0xE5A0]  }
0x148: {  	v17 =	vld [tilespmem:s26+$0xE5B0]  }
0x149: {  	v18 =	vld [tilespmem:s26+$0xE600]  }
0x14a: {  	v19 =	vld [tilespmem:s26+$0xE610]  }
0x14b: {  	v20 =	vld [tilespmem:s26+$0xE620]  }
0x14c: {  	v21 =	vld [tilespmem:s26+$0xE630]  }
0x14d: {  	v22 =	vld [tilespmem:s26+$0xE680]  }
0x14e: {  	v23 =	vld [tilespmem:s26+$0xE690]  }
0x14f: {  	v24 =	vld [tilespmem:s26+$0xE6A0]  }
0x150: {  	v25 =	vld [tilespmem:s26+$0xE6B0]  }
0x151: {  	v26 =	vld [tilespmem:s26+$0xE700]  }
0x152: {  	v27 =	vld [tilespmem:s26+$0xE710]  }
0x153: {  	v28 =	vld [tilespmem:s26+$0xE720]  }
0x154: {  	v29 =	vld [tilespmem:s26+$0xE730]  }
0x155: {  	v30 =	vld [tilespmem:s26+$0xE780]  }
0x156: {  	v31 =	vld [tilespmem:s26+$0xE790]  }
0x157: {  	[tilespmem:s26+$0x167B0] =	vst.add.f32.msk $0xffff, v1  }
0x158: {  	v1 =	vld [tilespmem:s26+$0xE7A0]  }
0x159: {  	[tilespmem:s26+$0x16400] =	vst.add.f32.msk $0xffff, v2  }
0x15a: {  	[tilespmem:s26+$0x16410] =	vst.add.f32.msk $0xffff, v3  }
0x15b: {  	[tilespmem:s26+$0x16420] =	vst.add.f32.msk $0xffff, v4  }
0x15c: {  	[tilespmem:s26+$0x16430] =	vst.add.f32.msk $0xffff, v5  }
0x15d: {  	[tilespmem:s26+$0x16480] =	vst.add.f32.msk $0xffff, v6  }
0x15e: {  	[tilespmem:s26+$0x16490] =	vst.add.f32.msk $0xffff, v7  }
0x15f: {  	[tilespmem:s26+$0x164A0] =	vst.add.f32.msk $0xffff, v8  }
0x160: {  	[tilespmem:s26+$0x164B0] =	vst.add.f32.msk $0xffff, v9  }
0x161: {  	[tilespmem:s26+$0x16500] =	vst.add.f32.msk $0xffff, v10  }
0x162: {  	[tilespmem:s26+$0x16510] =	vst.add.f32.msk $0xffff, v11  }
0x163: {  	[tilespmem:s26+$0x16520] =	vst.add.f32.msk $0xffff, v12  }
0x164: {  	[tilespmem:s26+$0x16530] =	vst.add.f32.msk $0xffff, v13  }
0x165: {  	[tilespmem:s26+$0x16580] =	vst.add.f32.msk $0xffff, v14  }
0x166: {  	[tilespmem:s26+$0x16590] =	vst.add.f32.msk $0xffff, v15  }
0x167: {  	[tilespmem:s26+$0x165A0] =	vst.add.f32.msk $0xffff, v16  }
0x168: {  	[tilespmem:s26+$0x165B0] =	vst.add.f32.msk $0xffff, v17  }
0x169: {  	[tilespmem:s26+$0x16600] =	vst.add.f32.msk $0xffff, v18  }
0x16a: {  	[tilespmem:s26+$0x16610] =	vst.add.f32.msk $0xffff, v19  }
0x16b: {  	[tilespmem:s26+$0x16620] =	vst.add.f32.msk $0xffff, v20  }
0x16c: {  	[tilespmem:s26+$0x16630] =	vst.add.f32.msk $0xffff, v21  }
0x16d: {  	[tilespmem:s26+$0x16680] =	vst.add.f32.msk $0xffff, v22  }
0x16e: {  	[tilespmem:s26+$0x16690] =	vst.add.f32.msk $0xffff, v23  }
0x16f: {  	[tilespmem:s26+$0x166A0] =	vst.add.f32.msk $0xffff, v24  }
0x170: {  	[tilespmem:s26+$0x166B0] =	vst.add.f32.msk $0xffff, v25  }
0x171: {  	[tilespmem:s26+$0x16700] =	vst.add.f32.msk $0xffff, v26  }
0x172: {  	[tilespmem:s26+$0x16710] =	vst.add.f32.msk $0xffff, v27  }
0x173: {  	[tilespmem:s26+$0x16720] =	vst.add.f32.msk $0xffff, v28  }
0x174: {  	[tilespmem:s26+$0x16730] =	vst.add.f32.msk $0xffff, v29  }
0x175: {  	[tilespmem:s26+$0x16780] =	vst.add.f32.msk $0xffff, v30  }
0x176: {  	s28 =	simm.s32 $0x0;
	s29 =	simm.s32 $0x1000;
	[tilespmem:s26+$0x16790] =	vst.add.f32.msk $0xffff, v31  }
.LBB2_9:
0x177: {  	s28 =	sadd.s32 $0x8, s28;
	[tilespmem:s26+$0x167A0] =	vst.add.f32.msk $0xffff, v1;
	s26 =	sshra.s32 s29, $0x2  }
0x178: {  	v1 =	vld [tilespmem:s26+$0xE7B0];
	p1 =	slt.u32 s28, $0x78  }
0x179: {  	v2 =	vld [tilespmem:s26+$0xE400]  }
0x17a: {  	v3 =	vld [tilespmem:s26+$0xE410]  }
0x17b: {  	v4 =	vld [tilespmem:s26+$0xE420]  }
0x17c: {  	v5 =	vld [tilespmem:s26+$0xE430]  }
0x17d: {  	[tilespmem:s26+$0x167B0] =	vst.add.f32.msk $0xffff, v1  }
0x17e: {  	v6 =	vld [tilespmem:s26+$0xE480]  }
0x17f: {  	v7 =	vld [tilespmem:s26+$0xE490]  }
0x180: {  	v8 =	vld [tilespmem:s26+$0xE4A0]  }
0x181: {  	v9 =	vld [tilespmem:s26+$0xE4B0]  }
0x182: {  	v10 =	vld [tilespmem:s26+$0xE500]  }
0x183: {  	v11 =	vld [tilespmem:s26+$0xE510]  }
0x184: {  	v12 =	vld [tilespmem:s26+$0xE520]  }
0x185: {  	v13 =	vld [tilespmem:s26+$0xE530]  }
0x186: {  	v14 =	vld [tilespmem:s26+$0xE580]  }
0x187: {  	v15 =	vld [tilespmem:s26+$0xE590]  }
0x188: {  	v16 =	vld [tilespmem:s26+$0xE5A0]  }
0x189: {  	v17 =	vld [tilespmem:s26+$0xE5B0]  }
0x18a: {  	v18 =	vld [tilespmem:s26+$0xE600]  }
0x18b: {  	v19 =	vld [tilespmem:s26+$0xE610]  }
0x18c: {  	v20 =	vld [tilespmem:s26+$0xE620]  }
0x18d: {  	v21 =	vld [tilespmem:s26+$0xE630]  }
0x18e: {  	v22 =	vld [tilespmem:s26+$0xE680]  }
0x18f: {  	v23 =	vld [tilespmem:s26+$0xE690]  }
0x190: {  	v24 =	vld [tilespmem:s26+$0xE6A0]  }
0x191: {  	v25 =	vld [tilespmem:s26+$0xE6B0]  }
0x192: {  	v26 =	vld [tilespmem:s26+$0xE700]  }
0x193: {  	v27 =	vld [tilespmem:s26+$0xE710]  }
0x194: {  	v28 =	vld [tilespmem:s26+$0xE720]  }
0x195: {  	v29 =	vld [tilespmem:s26+$0xE730]  }
0x196: {  	v30 =	vld [tilespmem:s26+$0xE780]  }
0x197: {  	v31 =	vld [tilespmem:s26+$0xE790]  }
0x198: {  	v1 =	vld [tilespmem:s26+$0xE7A0]  }
0x199: {  	[tilespmem:s26+$0x16400] =	vst.add.f32.msk $0xffff, v2  }
0x19a: {  	[tilespmem:s26+$0x16410] =	vst.add.f32.msk $0xffff, v3  }
0x19b: {  	[tilespmem:s26+$0x16420] =	vst.add.f32.msk $0xffff, v4  }
0x19c: {  	[tilespmem:s26+$0x16430] =	vst.add.f32.msk $0xffff, v5  }
0x19d: {  	[tilespmem:s26+$0x16480] =	vst.add.f32.msk $0xffff, v6  }
0x19e: {  	[tilespmem:s26+$0x16490] =	vst.add.f32.msk $0xffff, v7  }
0x19f: {  	[tilespmem:s26+$0x164A0] =	vst.add.f32.msk $0xffff, v8  }
0x1a0: {  	[tilespmem:s26+$0x164B0] =	vst.add.f32.msk $0xffff, v9  }
0x1a1: {  	[tilespmem:s26+$0x16500] =	vst.add.f32.msk $0xffff, v10  }
0x1a2: {  	[tilespmem:s26+$0x16510] =	vst.add.f32.msk $0xffff, v11  }
0x1a3: {  	[tilespmem:s26+$0x16520] =	vst.add.f32.msk $0xffff, v12  }
0x1a4: {  	[tilespmem:s26+$0x16530] =	vst.add.f32.msk $0xffff, v13  }
0x1a5: {  	[tilespmem:s26+$0x16580] =	vst.add.f32.msk $0xffff, v14  }
0x1a6: {  	[tilespmem:s26+$0x16590] =	vst.add.f32.msk $0xffff, v15  }
0x1a7: {  	[tilespmem:s26+$0x165A0] =	vst.add.f32.msk $0xffff, v16  }
0x1a8: {  	[tilespmem:s26+$0x165B0] =	vst.add.f32.msk $0xffff, v17  }
0x1a9: {  	[tilespmem:s26+$0x16600] =	vst.add.f32.msk $0xffff, v18  }
0x1aa: {  	[tilespmem:s26+$0x16610] =	vst.add.f32.msk $0xffff, v19  }
0x1ab: {  	[tilespmem:s26+$0x16620] =	vst.add.f32.msk $0xffff, v20  }
0x1ac: {  	[tilespmem:s26+$0x16630] =	vst.add.f32.msk $0xffff, v21  }
0x1ad: {  	[tilespmem:s26+$0x16680] =	vst.add.f32.msk $0xffff, v22  }
0x1ae: {  	[tilespmem:s26+$0x16690] =	vst.add.f32.msk $0xffff, v23  }
0x1af: {  	[tilespmem:s26+$0x166A0] =	vst.add.f32.msk $0xffff, v24  }
0x1b0: {  	[tilespmem:s26+$0x166B0] =	vst.add.f32.msk $0xffff, v25  }
0x1b1: {  	[tilespmem:s26+$0x16700] =	vst.add.f32.msk $0xffff, v26  }
.Ltmp5:
0x1b2: {  	[tilespmem:s26+$0x16710] =	vst.add.f32.msk $0xffff, v27;
	(pc) =	sbr.rel @p1 .LBB2_9-.Ltmp5, $4  }
0x1b3: {  	[tilespmem:s26+$0x16720] =	vst.add.f32.msk $0xffff, v28  }
0x1b4: {  	[tilespmem:s26+$0x16730] =	vst.add.f32.msk $0xffff, v29  }
0x1b5: {  	[tilespmem:s26+$0x16780] =	vst.add.f32.msk $0xffff, v30  }
0x1b6: {  	s29 =	sadd.s32 $0x1000, s29;
	[tilespmem:s26+$0x16790] =	vst.add.f32.msk $0xffff, v31  }
0x1b7: {  	[tilespmem:s26+$0x167A0] =	vst.add.f32.msk $0xffff, v1;
	s25 =	sadd.s32 @!p0 $0x300, s25;
	s26 =	simm.s32 @!p0 $0x80;
	s28 =	simm.s32 @!p0 $0xE400  }
0x1b8: {  	[tilespmem:s28], [sflag:$0x3] =	stream.indirect.gather @!p0 [hbm4b:s3+s26], $0x80, s25, s26, $0xb8;
	[tilespmem:$0x1A400] =	vst v63  }
0x1b9: {  	_ =	swait.ge [sflag:s20], $0x4000  }
0x1ba: {  	[sflag:s20] =	ssyncset.done $0x0  }
0x1bb: {  	s25 =	simm.s32 $0x0;
	[sflag:s20] =	ssyncadd.s32 $0xFFFFC000  }
0x1bc: {  	v1 =	vld [tilespmem:s25+$0x127B0]  }
0x1bd: {  	v2 =	vld [tilespmem:s25+$0x12400]  }
0x1be: {  	v3 =	vld [tilespmem:s25+$0x12410]  }
0x1bf: {  	v4 =	vld [tilespmem:s25+$0x12420]  }
0x1c0: {  	v5 =	vld [tilespmem:s25+$0x12430]  }
0x1c1: {  	v6 =	vld [tilespmem:s25+$0x12480]  }
0x1c2: {  	v7 =	vld [tilespmem:s25+$0x12490]  }
0x1c3: {  	v8 =	vld [tilespmem:s25+$0x124A0]  }
0x1c4: {  	v9 =	vld [tilespmem:s25+$0x124B0]  }
0x1c5: {  	v10 =	vld [tilespmem:s25+$0x12500]  }
0x1c6: {  	v11 =	vld [tilespmem:s25+$0x12510]  }
0x1c7: {  	v12 =	vld [tilespmem:s25+$0x12520]  }
0x1c8: {  	v13 =	vld [tilespmem:s25+$0x12530]  }
0x1c9: {  	v14 =	vld [tilespmem:s25+$0x12580]  }
0x1ca: {  	v15 =	vld [tilespmem:s25+$0x12590]  }
0x1cb: {  	v16 =	vld [tilespmem:s25+$0x125A0]  }
0x1cc: {  	v17 =	vld [tilespmem:s25+$0x125B0]  }
0x1cd: {  	v18 =	vld [tilespmem:s25+$0x12600]  }
0x1ce: {  	v19 =	vld [tilespmem:s25+$0x12610]  }
0x1cf: {  	v20 =	vld [tilespmem:s25+$0x12620]  }
0x1d0: {  	v21 =	vld [tilespmem:s25+$0x12630]  }
0x1d1: {  	v22 =	vld [tilespmem:s25+$0x12680]  }
0x1d2: {  	v23 =	vld [tilespmem:s25+$0x12690]  }
0x1d3: {  	v24 =	vld [tilespmem:s25+$0x126A0]  }
0x1d4: {  	v25 =	vld [tilespmem:s25+$0x126B0]  }
0x1d5: {  	v26 =	vld [tilespmem:s25+$0x12700]  }
0x1d6: {  	v27 =	vld [tilespmem:s25+$0x12710]  }
0x1d7: {  	v28 =	vld [tilespmem:s25+$0x12720]  }
0x1d8: {  	v29 =	vld [tilespmem:s25+$0x12730]  }
0x1d9: {  	v30 =	vld [tilespmem:s25+$0x12780]  }
0x1da: {  	v31 =	vld [tilespmem:s25+$0x12790]  }
0x1db: {  	[tilespmem:s25+$0x167B0] =	vst.add.f32.msk $0xffff, v1  }
0x1dc: {  	v1 =	vld [tilespmem:s25+$0x127A0]  }
0x1dd: {  	[tilespmem:s25+$0x16400] =	vst.add.f32.msk $0xffff, v2  }
0x1de: {  	[tilespmem:s25+$0x16410] =	vst.add.f32.msk $0xffff, v3  }
0x1df: {  	[tilespmem:s25+$0x16420] =	vst.add.f32.msk $0xffff, v4  }
0x1e0: {  	[tilespmem:s25+$0x16430] =	vst.add.f32.msk $0xffff, v5  }
0x1e1: {  	[tilespmem:s25+$0x16480] =	vst.add.f32.msk $0xffff, v6  }
0x1e2: {  	[tilespmem:s25+$0x16490] =	vst.add.f32.msk $0xffff, v7  }
0x1e3: {  	[tilespmem:s25+$0x164A0] =	vst.add.f32.msk $0xffff, v8  }
0x1e4: {  	[tilespmem:s25+$0x164B0] =	vst.add.f32.msk $0xffff, v9  }
0x1e5: {  	[tilespmem:s25+$0x16500] =	vst.add.f32.msk $0xffff, v10  }
0x1e6: {  	[tilespmem:s25+$0x16510] =	vst.add.f32.msk $0xffff, v11  }
0x1e7: {  	[tilespmem:s25+$0x16520] =	vst.add.f32.msk $0xffff, v12  }
0x1e8: {  	[tilespmem:s25+$0x16530] =	vst.add.f32.msk $0xffff, v13  }
0x1e9: {  	[tilespmem:s25+$0x16580] =	vst.add.f32.msk $0xffff, v14  }
0x1ea: {  	[tilespmem:s25+$0x16590] =	vst.add.f32.msk $0xffff, v15  }
0x1eb: {  	[tilespmem:s25+$0x165A0] =	vst.add.f32.msk $0xffff, v16  }
0x1ec: {  	[tilespmem:s25+$0x165B0] =	vst.add.f32.msk $0xffff, v17  }
0x1ed: {  	[tilespmem:s25+$0x16600] =	vst.add.f32.msk $0xffff, v18  }
0x1ee: {  	[tilespmem:s25+$0x16610] =	vst.add.f32.msk $0xffff, v19  }
0x1ef: {  	[tilespmem:s25+$0x16620] =	vst.add.f32.msk $0xffff, v20  }
0x1f0: {  	[tilespmem:s25+$0x16630] =	vst.add.f32.msk $0xffff, v21  }
0x1f1: {  	[tilespmem:s25+$0x16680] =	vst.add.f32.msk $0xffff, v22  }
0x1f2: {  	[tilespmem:s25+$0x16690] =	vst.add.f32.msk $0xffff, v23  }
0x1f3: {  	[tilespmem:s25+$0x166A0] =	vst.add.f32.msk $0xffff, v24  }
0x1f4: {  	[tilespmem:s25+$0x166B0] =	vst.add.f32.msk $0xffff, v25  }
0x1f5: {  	[tilespmem:s25+$0x16700] =	vst.add.f32.msk $0xffff, v26  }
0x1f6: {  	[tilespmem:s25+$0x16710] =	vst.add.f32.msk $0xffff, v27  }
0x1f7: {  	[tilespmem:s25+$0x16720] =	vst.add.f32.msk $0xffff, v28  }
0x1f8: {  	[tilespmem:s25+$0x16730] =	vst.add.f32.msk $0xffff, v29  }
0x1f9: {  	[tilespmem:s25+$0x16780] =	vst.add.f32.msk $0xffff, v30  }
0x1fa: {  	s26 =	simm.s32 $0x0;
	s28 =	simm.s32 $0x1000;
	[tilespmem:s25+$0x16790] =	vst.add.f32.msk $0xffff, v31  }
.LBB2_11:
0x1fb: {  	s26 =	sadd.s32 $0x8, s26;
	[tilespmem:s25+$0x167A0] =	vst.add.f32.msk $0xffff, v1;
	s25 =	sshra.s32 s28, $0x2  }
0x1fc: {  	v1 =	vld [tilespmem:s25+$0x127B0];
	p1 =	slt.u32 s26, $0x78  }
0x1fd: {  	v2 =	vld [tilespmem:s25+$0x12400]  }
0x1fe: {  	v3 =	vld [tilespmem:s25+$0x12410]  }
0x1ff: {  	v4 =	vld [tilespmem:s25+$0x12420]  }
0x200: {  	v5 =	vld [tilespmem:s25+$0x12430]  }
0x201: {  	[tilespmem:s25+$0x167B0] =	vst.add.f32.msk $0xffff, v1  }
0x202: {  	v6 =	vld [tilespmem:s25+$0x12480]  }
0x203: {  	v7 =	vld [tilespmem:s25+$0x12490]  }
0x204: {  	v8 =	vld [tilespmem:s25+$0x124A0]  }
0x205: {  	v9 =	vld [tilespmem:s25+$0x124B0]  }
0x206: {  	v10 =	vld [tilespmem:s25+$0x12500]  }
0x207: {  	v11 =	vld [tilespmem:s25+$0x12510]  }
0x208: {  	v12 =	vld [tilespmem:s25+$0x12520]  }
0x209: {  	v13 =	vld [tilespmem:s25+$0x12530]  }
0x20a: {  	v14 =	vld [tilespmem:s25+$0x12580]  }
0x20b: {  	v15 =	vld [tilespmem:s25+$0x12590]  }
0x20c: {  	v16 =	vld [tilespmem:s25+$0x125A0]  }
0x20d: {  	v17 =	vld [tilespmem:s25+$0x125B0]  }
0x20e: {  	v18 =	vld [tilespmem:s25+$0x12600]  }
0x20f: {  	v19 =	vld [tilespmem:s25+$0x12610]  }
0x210: {  	v20 =	vld [tilespmem:s25+$0x12620]  }
0x211: {  	v21 =	vld [tilespmem:s25+$0x12630]  }
0x212: {  	v22 =	vld [tilespmem:s25+$0x12680]  }
0x213: {  	v23 =	vld [tilespmem:s25+$0x12690]  }
0x214: {  	v24 =	vld [tilespmem:s25+$0x126A0]  }
0x215: {  	v25 =	vld [tilespmem:s25+$0x126B0]  }
0x216: {  	v26 =	vld [tilespmem:s25+$0x12700]  }
0x217: {  	v27 =	vld [tilespmem:s25+$0x12710]  }
0x218: {  	v28 =	vld [tilespmem:s25+$0x12720]  }
0x219: {  	v29 =	vld [tilespmem:s25+$0x12730]  }
0x21a: {  	v30 =	vld [tilespmem:s25+$0x12780]  }
0x21b: {  	v31 =	vld [tilespmem:s25+$0x12790]  }
0x21c: {  	v1 =	vld [tilespmem:s25+$0x127A0]  }
0x21d: {  	[tilespmem:s25+$0x16400] =	vst.add.f32.msk $0xffff, v2  }
0x21e: {  	[tilespmem:s25+$0x16410] =	vst.add.f32.msk $0xffff, v3  }
0x21f: {  	[tilespmem:s25+$0x16420] =	vst.add.f32.msk $0xffff, v4  }
0x220: {  	[tilespmem:s25+$0x16430] =	vst.add.f32.msk $0xffff, v5  }
0x221: {  	[tilespmem:s25+$0x16480] =	vst.add.f32.msk $0xffff, v6  }
0x222: {  	[tilespmem:s25+$0x16490] =	vst.add.f32.msk $0xffff, v7  }
0x223: {  	[tilespmem:s25+$0x164A0] =	vst.add.f32.msk $0xffff, v8  }
0x224: {  	[tilespmem:s25+$0x164B0] =	vst.add.f32.msk $0xffff, v9  }
0x225: {  	[tilespmem:s25+$0x16500] =	vst.add.f32.msk $0xffff, v10  }
0x226: {  	[tilespmem:s25+$0x16510] =	vst.add.f32.msk $0xffff, v11  }
0x227: {  	[tilespmem:s25+$0x16520] =	vst.add.f32.msk $0xffff, v12  }
0x228: {  	[tilespmem:s25+$0x16530] =	vst.add.f32.msk $0xffff, v13  }
0x229: {  	[tilespmem:s25+$0x16580] =	vst.add.f32.msk $0xffff, v14  }
0x22a: {  	[tilespmem:s25+$0x16590] =	vst.add.f32.msk $0xffff, v15  }
0x22b: {  	[tilespmem:s25+$0x165A0] =	vst.add.f32.msk $0xffff, v16  }
0x22c: {  	[tilespmem:s25+$0x165B0] =	vst.add.f32.msk $0xffff, v17  }
0x22d: {  	[tilespmem:s25+$0x16600] =	vst.add.f32.msk $0xffff, v18  }
0x22e: {  	[tilespmem:s25+$0x16610] =	vst.add.f32.msk $0xffff, v19  }
0x22f: {  	[tilespmem:s25+$0x16620] =	vst.add.f32.msk $0xffff, v20  }
0x230: {  	[tilespmem:s25+$0x16630] =	vst.add.f32.msk $0xffff, v21  }
0x231: {  	[tilespmem:s25+$0x16680] =	vst.add.f32.msk $0xffff, v22  }
0x232: {  	[tilespmem:s25+$0x16690] =	vst.add.f32.msk $0xffff, v23  }
0x233: {  	[tilespmem:s25+$0x166A0] =	vst.add.f32.msk $0xffff, v24  }
0x234: {  	[tilespmem:s25+$0x166B0] =	vst.add.f32.msk $0xffff, v25  }
0x235: {  	[tilespmem:s25+$0x16700] =	vst.add.f32.msk $0xffff, v26  }
.Ltmp6:
0x236: {  	[tilespmem:s25+$0x16710] =	vst.add.f32.msk $0xffff, v27;
	(pc) =	sbr.rel @p1 .LBB2_11-.Ltmp6, $4  }
0x237: {  	[tilespmem:s25+$0x16720] =	vst.add.f32.msk $0xffff, v28  }
0x238: {  	[tilespmem:s25+$0x16730] =	vst.add.f32.msk $0xffff, v29  }
0x239: {  	[tilespmem:s25+$0x16780] =	vst.add.f32.msk $0xffff, v30  }
0x23a: {  	s28 =	sadd.s32 $0x1000, s28;
	[tilespmem:s25+$0x16790] =	vst.add.f32.msk $0xffff, v31  }
.Ltmp7:
0x23b: {  	(pc) =	sbr.rel @p0 .LBB2_14-.Ltmp7, $2  }
0x23c: {  	_ =	sdelay $0x2  }
0x23d: {  	[tilespmem:s25+$0x167A0] =	vst.add.f32.msk $0xffff, v1  }
.Ltmp8:
0x23e: {  	(pc) =	sbr.rel .LBB2_4-.Ltmp8, $4  }
0x23f: {  	_ = 	snop  }
0x240: {  	s24 =	sshrl.u32 s24, $0x2  }
0x241: {  	s23 =	sadd.s32 $0x1, s23;
	s24 =	sadd.s32 $0x380, s24  }
0x242: {  	[tilespmem:s16], [sflag:$0x4] =	stream.indirect.gather [hbm4b:s3+s10], $0x80, s24, s10, $0xb8;
	[tilespmem:$0x1A400] =	vst v63  }
.LBB2_15:
0x243: {  	_ =	sfence.sel $0x180000  }
0x244: {  	[bflag:$0x0] =	sbarrier.arrive $0xFFFF  }
0x245: {  	p0 =	sne.s32 s1, $0x0;
	_ =	strace $0x90000047  }
0x246: {  	s0 =	sadd.s32 @!p0 $0x100000, s0;
	[bflag:$0x2] =	sbarrier.arrive $0xFFFF  }
0x247: {  	[sflag:s0] =	ssyncadd.tile.s32 @!p0 $0x1;
	_ =	shalt  }
.Lfunc_end2:
_tile_overlayer_lowered:
.L_overlay_start_2:
0x248: {  	(tag) =	ssettag $0x2  }
0x249: {  	s0 =	rddreg [dreg:$0x0];
	s2 =	stileid.u32  }
0x24a: {  	s1 =	rddreg [dreg:$0x1];
	p0 =	sne.s32 s2, $0x0  }
0x24b: {  	s3 =	rddreg [dreg:$0x2];
	[bflag:$0x3] =	sbarrier.arrive $0xFFFF;
	s2 =	simm.s32 @!p0 $0x1C05  }
0x24c: {  	[timem:s3], [sflag:s2] =	dma.local @!p0 [hbm:s0], s1  }
0x24d: {  	s0 =	simm.s32 @!p0 $0x5  }
0x24e: {  	_ =	swait.ge @!p0 [sflag:s0], s1  }
0x24f: {  	s1 =	ssub.s32 @!p0 $0x0, s1;
	[sflag:s0] =	ssyncset.done @!p0 $0x0  }
0x250: {  	[sflag:s0] =	ssyncadd.s32 @!p0 s1  }
0x251: {  	[bflag:$0x3] =	sbarrier.arrive $0xFFFF  }
0x252: {  	_ =	shalt  }

</sc_bundles>
